<compile_context>
chip_gen: v7x
topology: tpu7x:2x2x1
jax: 0.10.2.dev20260603
libtpu: 0.0.44.dev20260713+nightly
codegen_flags: <defaults>
</compile_context>

<pallas_src>
import functools

import jax
import jax.numpy as jnp
from jax import lax
from jax.experimental import pallas as pl
from jax.experimental.pallas import tpu as pltpu
from jax.experimental.pallas import tpu_sc as plsc

BATCH = 16384
N_FIELDS = 26
CARD = 64
OUT_W = N_FIELDS * CARD

NUM_WORKERS = 32
ROWS_PER_WORKER = BATCH // NUM_WORKERS
CHUNK_ROWS = 32
CHUNKS = ROWS_PER_WORKER // CHUNK_ROWS
LANES = 16


def _body(x_hbm, out_hbm, x_vmem, buf0, buf1, sem0, sem1, semx):
    c = lax.axis_index("c")
    s = lax.axis_index("s")
    wid = s * 2 + c

    ones = jnp.full((LANES,), 1, jnp.int32)
    zeros = jnp.zeros((LANES,), jnp.int32)

    def _splat(v):
        return jnp.full((LANES,), v, jnp.int32)

    xcopy = pltpu.make_async_copy(
        x_hbm.at[:, pl.ds(wid * ROWS_PER_WORKER, ROWS_PER_WORKER)], x_vmem, semx
    )
    xcopy.start()

    rows0 = lax.iota(jnp.int32, LANES)
    rows1 = rows0 + _splat(LANES)

    def scatter_pass(buf, k, value_vec):
        row0 = k * CHUNK_ROWS

        def ib(f, _):
            colbase = _splat(f * CARD)
            vals0 = x_vmem[f, pl.ds(row0, LANES)]
            plsc.store_scatter(buf, [rows0, colbase + vals0], value_vec)
            vals1 = x_vmem[f, pl.ds(row0 + LANES, LANES)]
            plsc.store_scatter(buf, [rows1, colbase + vals1], value_vec)
            return 0

        lax.fori_loop(0, N_FIELDS, ib, 0)

    rbase = wid * ROWS_PER_WORKER

    def dma(buf, k, sem):
        return pltpu.make_async_copy(
            buf, out_hbm.at[pl.ds(rbase + k * CHUNK_ROWS, CHUNK_ROWS)], sem
        )

    def zero_buf(buf):
        def z(r, _):
            for u in range(OUT_W // LANES):
                buf[r, pl.ds(u * LANES, LANES)] = zeros
            return 0

        lax.fori_loop(0, CHUNK_ROWS, z, 0)

    zero_buf(buf0)
    xcopy.wait()
    scatter_pass(buf0, 0, ones)
    dma(buf0, 0, sem0).start()
    zero_buf(buf1)
    scatter_pass(buf1, 1, ones)
    dma(buf1, 1, sem1).start()

    def chunk_pair(j, _):
        k0 = 2 * j
        k1 = 2 * j + 1
        dma(buf0, k0 - 2, sem0).wait()
        scatter_pass(buf0, k0 - 2, zeros)
        scatter_pass(buf0, k0, ones)
        dma(buf0, k0, sem0).start()
        dma(buf1, k1 - 2, sem1).wait()
        scatter_pass(buf1, k1 - 2, zeros)
        scatter_pass(buf1, k1, ones)
        dma(buf1, k1, sem1).start()
        return 0

    lax.fori_loop(1, CHUNKS // 2, chunk_pair, 0)
    dma(buf0, CHUNKS - 2, sem0).wait()
    dma(buf1, CHUNKS - 1, sem1).wait()


@jax.jit
def _onehot(x):
    xt = x.T
    mesh = plsc.VectorSubcoreMesh(core_axis_name="c", subcore_axis_name="s")
    f = functools.partial(
        pl.kernel,
        out_type=jax.ShapeDtypeStruct((BATCH, OUT_W), jnp.int32),
        scratch_types=[
            pltpu.VMEM((N_FIELDS, ROWS_PER_WORKER), jnp.int32),
            pltpu.VMEM((CHUNK_ROWS, OUT_W), jnp.int32),
            pltpu.VMEM((CHUNK_ROWS, OUT_W), jnp.int32),
            pltpu.SemaphoreType.DMA,
            pltpu.SemaphoreType.DMA,
            pltpu.SemaphoreType.DMA,
        ],
        mesh=mesh,
        compiler_params=pltpu.CompilerParams(needs_layout_passes=False),
    )(_body)
    return f(xt)


def kernel(x):
    return _onehot(x)

# --- scband reference (transcript-rebuilt; emitter-appended) ---
"""Pipeline reference for scband-one-hot-encoder-44255343018781 (READ-ONLY COPY).

The authoritative reference and input builder live on the scoring server;
editing this copy changes nothing except your own understanding.
"""

import jax, jax.numpy as jnp
import numpy as np

CARDINALITIES = [64] * 26
BATCH = 16384
N_FIELDS = 26


def setup_inputs(seed: int = 0) -> dict:
    key = jax.random.key(seed)
    x = jax.random.randint(key, (BATCH, N_FIELDS), 0, 64, dtype=jnp.int32)
    return {"x": x}


def reference(x):
    # Faithful translation of OneHotEncoder.forward:
    #   encoded_columns = [F.one_hot(x[..., col], card) for col, card in zip(...)]
    #   return torch.cat(encoded_columns, -1)
    encoded_columns = []
    for column, cardinality in zip(range(x.shape[-1]), CARDINALITIES):
        col_vals = x[..., column:column + 1]  # [..., 1]
        onehot = (col_vals == jnp.arange(cardinality, dtype=x.dtype)).astype(jnp.int32)
        encoded_columns.append(onehot)
    return jnp.concatenate(encoded_columns, axis=-1)

if __name__ == "__main__":
    import jax
    _d = setup_inputs()
    print(jax.jit(kernel)(*tuple(_d.values())))

</pallas_src>

<mosaic_0001>
#map = affine_map<(d0, d1) -> (0, 0)>
module attributes {stable_mosaic.version = 14 : i64} {
  func.func @_body(%arg0: i32, %arg1: i32, %arg2: memref<26x16384xi32, #tpu.memory_space<hbm>>, %arg3: memref<16384x1664xi32, #tpu.memory_space<hbm>>, %arg4: memref<26x512xi32, #tpu.memory_space<vmem>>, %arg5: memref<32x1664xi32, #tpu.memory_space<vmem>>, %arg6: memref<32x1664xi32, #tpu.memory_space<vmem>>, %arg7: memref<!tpu.dma_semaphore, #tpu.memory_space<semaphore_mem>>, %arg8: memref<!tpu.dma_semaphore, #tpu.memory_space<semaphore_mem>>, %arg9: memref<!tpu.dma_semaphore, #tpu.memory_space<semaphore_mem>>) attributes {dimension_semantics = [#tpu.dimension_semantics<core_parallel>, #tpu.dimension_semantics<subcore_parallel>], iteration_bounds = array<i64: 2, 16>, scalar_prefetch = 0 : i64, scratch_operands = 6 : i64, tpu.core_type = #tpu.core_type<sc_vector_subcore>, window_params = [{transform_indices = #map}, {transform_indices = #map}]} {
    %mul3A = arith.constant 2 : i32
    %mul3A_0 = arith.muli %arg1, %mul3A : i32
    %add3A = arith.addi %mul3A_0, %arg0 : i32
    %broadcast_in_dim3A = arith.constant 1 : i32
    %broadcast_in_dim3A_1 = vector.broadcast %broadcast_in_dim3A : i32 to vector<16xi32>
    %broadcast_in_dim3A_2 = arith.constant 0 : i32
    %broadcast_in_dim3A_3 = vector.broadcast %broadcast_in_dim3A_2 : i32 to vector<16xi32>
    %mul3A_4 = arith.constant 512 : i32
    %mul3A_5 = arith.muli %add3A, %mul3A_4 : i32
    %dma_start3A = arith.constant 0 : i32
    %dma_start3A_6 = tpu.memref_slice %arg2[%dma_start3A, %mul3A_5] : memref<26x16384xi32, #tpu.memory_space<hbm>> -> memref<26x512xi32, #tpu.memory_space<hbm>>
    %dma_start3A_7 = arith.constant 0 : i32
    %dma_start3A_8 = tpu.memref_slice %arg2[%dma_start3A_7, %mul3A_5] : memref<26x16384xi32, #tpu.memory_space<hbm>> -> memref<26x512xi32, #tpu.memory_space<hbm>>
    tpu.enqueue_dma source(%dma_start3A_8 : memref<26x512xi32, #tpu.memory_space<hbm>>) target(%arg4 : memref<26x512xi32, #tpu.memory_space<vmem>>) target_semaphore(%arg9 : memref<!tpu.dma_semaphore, #tpu.memory_space<semaphore_mem>>)
    %iota3A = tpu.iota {dimensions = array<i32: 0>} : vector<16xi32>
    %broadcast_in_dim3A_9 = arith.constant 16 : i32
    %broadcast_in_dim3A_10 = vector.broadcast %broadcast_in_dim3A_9 : i32 to vector<16xi32>
    %add3A_11 = arith.addi %iota3A, %broadcast_in_dim3A_10 : vector<16xi32>
    %mul3A_12 = arith.constant 512 : i32
    %mul3A_13 = arith.muli %add3A, %mul3A_12 : i32
    %scan3A = arith.constant 0 : i32
    %scan3A_14 = arith.constant 0 : i32
    %scan3A_15 = arith.constant 32 : i32
    %scan3A_16 = arith.addi %scan3A_14, %scan3A_15 : i32
    %scan3A_17 = arith.constant 1 : i32
    %scan3A_18 = scf.for %scan3A_75 = %scan3A_14 to %scan3A_16 step %scan3A_17 iter_args(%scan3A_76 = %scan3A) -> (i32)  : i32 {
      %swap3A = arith.index_cast %scan3A_75 : i32 to index
      %swap3A_77 = arith.constant 0 : index
      %swap3A_78 = tpu.vector_load %arg5[%swap3A, %swap3A_77] {strides = array<i32>} : memref<32x1664xi32, #tpu.memory_space<vmem>>, vector<16xi32>,
      tpu.vector_store %arg5[%swap3A, %swap3A_77], %broadcast_in_dim3A_3 {strides = array<i32>} : memref<32x1664xi32, #tpu.memory_space<vmem>>, vector<16xi32>,
      %swap3A_79 = arith.index_cast %scan3A_75 : i32 to index
      %swap3A_80 = arith.constant 16 : index
      %swap3A_81 = tpu.vector_load %arg5[%swap3A_79, %swap3A_80] {strides = array<i32>} : memref<32x1664xi32, #tpu.memory_space<vmem>>, vector<16xi32>,
      tpu.vector_store %arg5[%swap3A_79, %swap3A_80], %broadcast_in_dim3A_3 {strides = array<i32>} : memref<32x1664xi32, #tpu.memory_space<vmem>>, vector<16xi32>,
      %swap3A_82 = arith.index_cast %scan3A_75 : i32 to index
      %swap3A_83 = arith.constant 32 : index
      %swap3A_84 = tpu.vector_load %arg5[%swap3A_82, %swap3A_83] {strides = array<i32>} : memref<32x1664xi32, #tpu.memory_space<vmem>>, vector<16xi32>,
      tpu.vector_store %arg5[%swap3A_82, %swap3A_83], %broadcast_in_dim3A_3 {strides = array<i32>} : memref<32x1664xi32, #tpu.memory_space<vmem>>, vector<16xi32>,
      %swap3A_85 = arith.index_cast %scan3A_75 : i32 to index
      %swap3A_86 = arith.constant 48 : index
      %swap3A_87 = tpu.vector_load %arg5[%swap3A_85, %swap3A_86] {strides = array<i32>} : memref<32x1664xi32, #tpu.memory_space<vmem>>, vector<16xi32>,
      tpu.vector_store %arg5[%swap3A_85, %swap3A_86], %broadcast_in_dim3A_3 {strides = array<i32>} : memref<32x1664xi32, #tpu.memory_space<vmem>>, vector<16xi32>,
      %swap3A_88 = arith.index_cast %scan3A_75 : i32 to index
      %swap3A_89 = arith.constant 64 : index
      %swap3A_90 = tpu.vector_load %arg5[%swap3A_88, %swap3A_89] {strides = array<i32>} : memref<32x1664xi32, #tpu.memory_space<vmem>>, vector<16xi32>,
      tpu.vector_store %arg5[%swap3A_88, %swap3A_89], %broadcast_in_dim3A_3 {strides = array<i32>} : memref<32x1664xi32, #tpu.memory_space<vmem>>, vector<16xi32>,
      %swap3A_91 = arith.index_cast %scan3A_75 : i32 to index
      %swap3A_92 = arith.constant 80 : index
      %swap3A_93 = tpu.vector_load %arg5[%swap3A_91, %swap3A_92] {strides = array<i32>} : memref<32x1664xi32, #tpu.memory_space<vmem>>, vector<16xi32>,
      tpu.vector_store %arg5[%swap3A_91, %swap3A_92], %broadcast_in_dim3A_3 {strides = array<i32>} : memref<32x1664xi32, #tpu.memory_space<vmem>>, vector<16xi32>,
      %swap3A_94 = arith.index_cast %scan3A_75 : i32 to index
      %swap3A_95 = arith.constant 96 : index
      %swap3A_96 = tpu.vector_load %arg5[%swap3A_94, %swap3A_95] {strides = array<i32>} : memref<32x1664xi32, #tpu.memory_space<vmem>>, vector<16xi32>,
      tpu.vector_store %arg5[%swap3A_94, %swap3A_95], %broadcast_in_dim3A_3 {strides = array<i32>} : memref<32x1664xi32, #tpu.memory_space<vmem>>, vector<16xi32>,
      %swap3A_97 = arith.index_cast %scan3A_75 : i32 to index
      %swap3A_98 = arith.constant 112 : index
      %swap3A_99 = tpu.vector_load %arg5[%swap3A_97, %swap3A_98] {strides = array<i32>} : memref<32x1664xi32, #tpu.memory_space<vmem>>, vector<16xi32>,
      tpu.vector_store %arg5[%swap3A_97, %swap3A_98], %broadcast_in_dim3A_3 {strides = array<i32>} : memref<32x1664xi32, #tpu.memory_space<vmem>>, vector<16xi32>,
      %swap3A_100 = arith.index_cast %scan3A_75 : i32 to index
      %swap3A_101 = arith.constant 128 : index
      %swap3A_102 = tpu.vector_load %arg5[%swap3A_100, %swap3A_101] {strides = array<i32>} : memref<32x1664xi32, #tpu.memory_space<vmem>>, vector<16xi32>,
      tpu.vector_store %arg5[%swap3A_100, %swap3A_101], %broadcast_in_dim3A_3 {strides = array<i32>} : memref<32x1664xi32, #tpu.memory_space<vmem>>, vector<16xi32>,
      %swap3A_103 = arith.index_cast %scan3A_75 : i32 to index
      %swap3A_104 = arith.constant 144 : index
      %swap3A_105 = tpu.vector_load %arg5[%swap3A_103, %swap3A_104] {strides = array<i32>} : memref<32x1664xi32, #tpu.memory_space<vmem>>, vector<16xi32>,
      tpu.vector_store %arg5[%swap3A_103, %swap3A_104], %broadcast_in_dim3A_3 {strides = array<i32>} : memref<32x1664xi32, #tpu.memory_space<vmem>>, vector<16xi32>,
      %swap3A_106 = arith.index_cast %scan3A_75 : i32 to index
      %swap3A_107 = arith.constant 160 : index
      %swap3A_108 = tpu.vector_load %arg5[%swap3A_106, %swap3A_107] {strides = array<i32>} : memref<32x1664xi32, #tpu.memory_space<vmem>>, vector<16xi32>,
      tpu.vector_store %arg5[%swap3A_106, %swap3A_107], %broadcast_in_dim3A_3 {strides = array<i32>} : memref<32x1664xi32, #tpu.memory_space<vmem>>, vector<16xi32>,
      %swap3A_109 = arith.index_cast %scan3A_75 : i32 to index
      %swap3A_110 = arith.constant 176 : index
      %swap3A_111 = tpu.vector_load %arg5[%swap3A_109, %swap3A_110] {strides = array<i32>} : memref<32x1664xi32, #tpu.memory_space<vmem>>, vector<16xi32>,
      tpu.vector_store %arg5[%swap3A_109, %swap3A_110], %broadcast_in_dim3A_3 {strides = array<i32>} : memref<32x1664xi32, #tpu.memory_space<vmem>>, vector<16xi32>,
      %swap3A_112 = arith.index_cast %scan3A_75 : i32 to index
      %swap3A_113 = arith.constant 192 : index
      %swap3A_114 = tpu.vector_load %arg5[%swap3A_112, %swap3A_113] {strides = array<i32>} : memref<32x1664xi32, #tpu.memory_space<vmem>>, vector<16xi32>,
      tpu.vector_store %arg5[%swap3A_112, %swap3A_113], %broadcast_in_dim3A_3 {strides = array<i32>} : memref<32x1664xi32, #tpu.memory_space<vmem>>, vector<16xi32>,
      %swap3A_115 = arith.index_cast %scan3A_75 : i32 to index
      %swap3A_116 = arith.constant 208 : index
      %swap3A_117 = tpu.vector_load %arg5[%swap3A_115, %swap3A_116] {strides = array<i32>} : memref<32x1664xi32, #tpu.memory_space<vmem>>, vector<16xi32>,
      tpu.vector_store %arg5[%swap3A_115, %swap3A_116], %broadcast_in_dim3A_3 {strides = array<i32>} : memref<32x1664xi32, #tpu.memory_space<vmem>>, vector<16xi32>,
      %swap3A_118 = arith.index_cast %scan3A_75 : i32 to index
      %swap3A_119 = arith.constant 224 : index
      %swap3A_120 = tpu.vector_load %arg5[%swap3A_118, %swap3A_119] {strides = array<i32>} : memref<32x1664xi32, #tpu.memory_space<vmem>>, vector<16xi32>,
      tpu.vector_store %arg5[%swap3A_118, %swap3A_119], %broadcast_in_dim3A_3 {strides = array<i32>} : memref<32x1664xi32, #tpu.memory_space<vmem>>, vector<16xi32>,
      %swap3A_121 = arith.index_cast %scan3A_75 : i32 to index
      %swap3A_122 = arith.constant 240 : index
      %swap3A_123 = tpu.vector_load %arg5[%swap3A_121, %swap3A_122] {strides = array<i32>} : memref<32x1664xi32, #tpu.memory_space<vmem>>, vector<16xi32>,
      tpu.vector_store %arg5[%swap3A_121, %swap3A_122], %broadcast_in_dim3A_3 {strides = array<i32>} : memref<32x1664xi32, #tpu.memory_space<vmem>>, vector<16xi32>,
      %swap3A_124 = arith.index_cast %scan3A_75 : i32 to index
      %swap3A_125 = arith.constant 256 : index
      %swap3A_126 = tpu.vector_load %arg5[%swap3A_124, %swap3A_125] {strides = array<i32>} : memref<32x1664xi32, #tpu.memory_space<vmem>>, vector<16xi32>,
      tpu.vector_store %arg5[%swap3A_124, %swap3A_125], %broadcast_in_dim3A_3 {strides = array<i32>} : memref<32x1664xi32, #tpu.memory_space<vmem>>, vector<16xi32>,
      %swap3A_127 = arith.index_cast %scan3A_75 : i32 to index
      %swap3A_128 = arith.constant 272 : index
      %swap3A_129 = tpu.vector_load %arg5[%swap3A_127, %swap3A_128] {strides = array<i32>} : memref<32x1664xi32, #tpu.memory_space<vmem>>, vector<16xi32>,
      tpu.vector_store %arg5[%swap3A_127, %swap3A_128], %broadcast_in_dim3A_3 {strides = array<i32>} : memref<32x1664xi32, #tpu.memory_space<vmem>>, vector<16xi32>,
      %swap3A_130 = arith.index_cast %scan3A_75 : i32 to index
      %swap3A_131 = arith.constant 288 : index
      %swap3A_132 = tpu.vector_load %arg5[%swap3A_130, %swap3A_131] {strides = array<i32>} : memref<32x1664xi32, #tpu.memory_space<vmem>>, vector<16xi32>,
      tpu.vector_store %arg5[%swap3A_130, %swap3A_131], %broadcast_in_dim3A_3 {strides = array<i32>} : memref<32x1664xi32, #tpu.memory_space<vmem>>, vector<16xi32>,
      %swap3A_133 = arith.index_cast %scan3A_75 : i32 to index
      %swap3A_134 = arith.constant 304 : index
      %swap3A_135 = tpu.vector_load %arg5[%swap3A_133, %swap3A_134] {strides = array<i32>} : memref<32x1664xi32, #tpu.memory_space<vmem>>, vector<16xi32>,
      tpu.vector_store %arg5[%swap3A_133, %swap3A_134], %broadcast_in_dim3A_3 {strides = array<i32>} : memref<32x1664xi32, #tpu.memory_space<vmem>>, vector<16xi32>,
      %swap3A_136 = arith.index_cast %scan3A_75 : i32 to index
      %swap3A_137 = arith.constant 320 : index
      %swap3A_138 = tpu.vector_load %arg5[%swap3A_136, %swap3A_137] {strides = array<i32>} : memref<32x1664xi32, #tpu.memory_space<vmem>>, vector<16xi32>,
      tpu.vector_store %arg5[%swap3A_136, %swap3A_137], %broadcast_in_dim3A_3 {strides = array<i32>} : memref<32x1664xi32, #tpu.memory_space<vmem>>, vector<16xi32>,
      %swap3A_139 = arith.index_cast %scan3A_75 : i32 to index
      %swap3A_140 = arith.constant 336 : index
      %swap3A_141 = tpu.vector_load %arg5[%swap3A_139, %swap3A_140] {strides = array<i32>} : memref<32x1664xi32, #tpu.memory_space<vmem>>, vector<16xi32>,
      tpu.vector_store %arg5[%swap3A_139, %swap3A_140], %broadcast_in_dim3A_3 {strides = array<i32>} : memref<32x1664xi32, #tpu.memory_space<vmem>>, vector<16xi32>,
      %swap3A_142 = arith.index_cast %scan3A_75 : i32 to index
      %swap3A_143 = arith.constant 352 : index
      %swap3A_144 = tpu.vector_load %arg5[%swap3A_142, %swap3A_143] {strides = array<i32>} : memref<32x1664xi32, #tpu.memory_space<vmem>>, vector<16xi32>,
      tpu.vector_store %arg5[%swap3A_142, %swap3A_143], %broadcast_in_dim3A_3 {strides = array<i32>} : memref<32x1664xi32, #tpu.memory_space<vmem>>, vector<16xi32>,
      %swap3A_145 = arith.index_cast %scan3A_75 : i32 to index
      %swap3A_146 = arith.constant 368 : index
      %swap3A_147 = tpu.vector_load %arg5[%swap3A_145, %swap3A_146] {strides = array<i32>} : memref<32x1664xi32, #tpu.memory_space<vmem>>, vector<16xi32>,
      tpu.vector_store %arg5[%swap3A_145, %swap3A_146], %broadcast_in_dim3A_3 {strides = array<i32>} : memref<32x1664xi32, #tpu.memory_space<vmem>>, vector<16xi32>,
      %swap3A_148 = arith.index_cast %scan3A_75 : i32 to index
      %swap3A_149 = arith.constant 384 : index
      %swap3A_150 = tpu.vector_load %arg5[%swap3A_148, %swap3A_149] {strides = array<i32>} : memref<32x1664xi32, #tpu.memory_space<vmem>>, vector<16xi32>,
      tpu.vector_store %arg5[%swap3A_148, %swap3A_149], %broadcast_in_dim3A_3 {strides = array<i32>} : memref<32x1664xi32, #tpu.memory_space<vmem>>, vector<16xi32>,
      %swap3A_151 = arith.index_cast %scan3A_75 : i32 to index
      %swap3A_152 = arith.constant 400 : index
      %swap3A_153 = tpu.vector_load %arg5[%swap3A_151, %swap3A_152] {strides = array<i32>} : memref<32x1664xi32, #tpu.memory_space<vmem>>, vector<16xi32>,
      tpu.vector_store %arg5[%swap3A_151, %swap3A_152], %broadcast_in_dim3A_3 {strides = array<i32>} : memref<32x1664xi32, #tpu.memory_space<vmem>>, vector<16xi32>,
      %swap3A_154 = arith.index_cast %scan3A_75 : i32 to index
      %swap3A_155 = arith.constant 416 : index
      %swap3A_156 = tpu.vector_load %arg5[%swap3A_154, %swap3A_155] {strides = array<i32>} : memref<32x1664xi32, #tpu.memory_space<vmem>>, vector<16xi32>,
      tpu.vector_store %arg5[%swap3A_154, %swap3A_155], %broadcast_in_dim3A_3 {strides = array<i32>} : memref<32x1664xi32, #tpu.memory_space<vmem>>, vector<16xi32>,
      %swap3A_157 = arith.index_cast %scan3A_75 : i32 to index
      %swap3A_158 = arith.constant 432 : index
      %swap3A_159 = tpu.vector_load %arg5[%swap3A_157, %swap3A_158] {strides = array<i32>} : memref<32x1664xi32, #tpu.memory_space<vmem>>, vector<16xi32>,
      tpu.vector_store %arg5[%swap3A_157, %swap3A_158], %broadcast_in_dim3A_3 {strides = array<i32>} : memref<32x1664xi32, #tpu.memory_space<vmem>>, vector<16xi32>,
      %swap3A_160 = arith.index_cast %scan3A_75 : i32 to index
      %swap3A_161 = arith.constant 448 : index
      %swap3A_162 = tpu.vector_load %arg5[%swap3A_160, %swap3A_161] {strides = array<i32>} : memref<32x1664xi32, #tpu.memory_space<vmem>>, vector<16xi32>,
      tpu.vector_store %arg5[%swap3A_160, %swap3A_161], %broadcast_in_dim3A_3 {strides = array<i32>} : memref<32x1664xi32, #tpu.memory_space<vmem>>, vector<16xi32>,
      %swap3A_163 = arith.index_cast %scan3A_75 : i32 to index
      %swap3A_164 = arith.constant 464 : index
      %swap3A_165 = tpu.vector_load %arg5[%swap3A_163, %swap3A_164] {strides = array<i32>} : memref<32x1664xi32, #tpu.memory_space<vmem>>, vector<16xi32>,
      tpu.vector_store %arg5[%swap3A_163, %swap3A_164], %broadcast_in_dim3A_3 {strides = array<i32>} : memref<32x1664xi32, #tpu.memory_space<vmem>>, vector<16xi32>,
      %swap3A_166 = arith.index_cast %scan3A_75 : i32 to index
      %swap3A_167 = arith.constant 480 : index
      %swap3A_168 = tpu.vector_load %arg5[%swap3A_166, %swap3A_167] {strides = array<i32>} : memref<32x1664xi32, #tpu.memory_space<vmem>>, vector<16xi32>,
      tpu.vector_store %arg5[%swap3A_166, %swap3A_167], %broadcast_in_dim3A_3 {strides = array<i32>} : memref<32x1664xi32, #tpu.memory_space<vmem>>, vector<16xi32>,
      %swap3A_169 = arith.index_cast %scan3A_75 : i32 to index
      %swap3A_170 = arith.constant 496 : index
      %swap3A_171 = tpu.vector_load %arg5[%swap3A_169, %swap3A_170] {strides = array<i32>} : memref<32x1664xi32, #tpu.memory_space<vmem>>, vector<16xi32>,
      tpu.vector_store %arg5[%swap3A_169, %swap3A_170], %broadcast_in_dim3A_3 {strides = array<i32>} : memref<32x1664xi32, #tpu.memory_space<vmem>>, vector<16xi32>,
      %swap3A_172 = arith.index_cast %scan3A_75 : i32 to index
      %swap3A_173 = arith.constant 512 : index
      %swap3A_174 = tpu.vector_load %arg5[%swap3A_172, %swap3A_173] {strides = array<i32>} : memref<32x1664xi32, #tpu.memory_space<vmem>>, vector<16xi32>,
      tpu.vector_store %arg5[%swap3A_172, %swap3A_173], %broadcast_in_dim3A_3 {strides = array<i32>} : memref<32x1664xi32, #tpu.memory_space<vmem>>, vector<16xi32>,
      %swap3A_175 = arith.index_cast %scan3A_75 : i32 to index
      %swap3A_176 = arith.constant 528 : index
      %swap3A_177 = tpu.vector_load %arg5[%swap3A_175, %swap3A_176] {strides = array<i32>} : memref<32x1664xi32, #tpu.memory_space<vmem>>, vector<16xi32>,
      tpu.vector_store %arg5[%swap3A_175, %swap3A_176], %broadcast_in_dim3A_3 {strides = array<i32>} : memref<32x1664xi32, #tpu.memory_space<vmem>>, vector<16xi32>,
      %swap3A_178 = arith.index_cast %scan3A_75 : i32 to index
      %swap3A_179 = arith.constant 544 : index
      %swap3A_180 = tpu.vector_load %arg5[%swap3A_178, %swap3A_179] {strides = array<i32>} : memref<32x1664xi32, #tpu.memory_space<vmem>>, vector<16xi32>,
      tpu.vector_store %arg5[%swap3A_178, %swap3A_179], %broadcast_in_dim3A_3 {strides = array<i32>} : memref<32x1664xi32, #tpu.memory_space<vmem>>, vector<16xi32>,
      %swap3A_181 = arith.index_cast %scan3A_75 : i32 to index
      %swap3A_182 = arith.constant 560 : index
      %swap3A_183 = tpu.vector_load %arg5[%swap3A_181, %swap3A_182] {strides = array<i32>} : memref<32x1664xi32, #tpu.memory_space<vmem>>, vector<16xi32>,
      tpu.vector_store %arg5[%swap3A_181, %swap3A_182], %broadcast_in_dim3A_3 {strides = array<i32>} : memref<32x1664xi32, #tpu.memory_space<vmem>>, vector<16xi32>,
      %swap3A_184 = arith.index_cast %scan3A_75 : i32 to index
      %swap3A_185 = arith.constant 576 : index
      %swap3A_186 = tpu.vector_load %arg5[%swap3A_184, %swap3A_185] {strides = array<i32>} : memref<32x1664xi32, #tpu.memory_space<vmem>>, vector<16xi32>,
      tpu.vector_store %arg5[%swap3A_184, %swap3A_185], %broadcast_in_dim3A_3 {strides = array<i32>} : memref<32x1664xi32, #tpu.memory_space<vmem>>, vector<16xi32>,
      %swap3A_187 = arith.index_cast %scan3A_75 : i32 to index
      %swap3A_188 = arith.constant 592 : index
      %swap3A_189 = tpu.vector_load %arg5[%swap3A_187, %swap3A_188] {strides = array<i32>} : memref<32x1664xi32, #tpu.memory_space<vmem>>, vector<16xi32>,
      tpu.vector_store %arg5[%swap3A_187, %swap3A_188], %broadcast_in_dim3A_3 {strides = array<i32>} : memref<32x1664xi32, #tpu.memory_space<vmem>>, vector<16xi32>,
      %swap3A_190 = arith.index_cast %scan3A_75 : i32 to index
      %swap3A_191 = arith.constant 608 : index
      %swap3A_192 = tpu.vector_load %arg5[%swap3A_190, %swap3A_191] {strides = array<i32>} : memref<32x1664xi32, #tpu.memory_space<vmem>>, vector<16xi32>,
      tpu.vector_store %arg5[%swap3A_190, %swap3A_191], %broadcast_in_dim3A_3 {strides = array<i32>} : memref<32x1664xi32, #tpu.memory_space<vmem>>, vector<16xi32>,
      %swap3A_193 = arith.index_cast %scan3A_75 : i32 to index
      %swap3A_194 = arith.constant 624 : index
      %swap3A_195 = tpu.vector_load %arg5[%swap3A_193, %swap3A_194] {strides = array<i32>} : memref<32x1664xi32, #tpu.memory_space<vmem>>, vector<16xi32>,
      tpu.vector_store %arg5[%swap3A_193, %swap3A_194], %broadcast_in_dim3A_3 {strides = array<i32>} : memref<32x1664xi32, #tpu.memory_space<vmem>>, vector<16xi32>,
      %swap3A_196 = arith.index_cast %scan3A_75 : i32 to index
      %swap3A_197 = arith.constant 640 : index
      %swap3A_198 = tpu.vector_load %arg5[%swap3A_196, %swap3A_197] {strides = array<i32>} : memref<32x1664xi32, #tpu.memory_space<vmem>>, vector<16xi32>,
      tpu.vector_store %arg5[%swap3A_196, %swap3A_197], %broadcast_in_dim3A_3 {strides = array<i32>} : memref<32x1664xi32, #tpu.memory_space<vmem>>, vector<16xi32>,
      %swap3A_199 = arith.index_cast %scan3A_75 : i32 to index
      %swap3A_200 = arith.constant 656 : index
      %swap3A_201 = tpu.vector_load %arg5[%swap3A_199, %swap3A_200] {strides = array<i32>} : memref<32x1664xi32, #tpu.memory_space<vmem>>, vector<16xi32>,
      tpu.vector_store %arg5[%swap3A_199, %swap3A_200], %broadcast_in_dim3A_3 {strides = array<i32>} : memref<32x1664xi32, #tpu.memory_space<vmem>>, vector<16xi32>,
      %swap3A_202 = arith.index_cast %scan3A_75 : i32 to index
      %swap3A_203 = arith.constant 672 : index
      %swap3A_204 = tpu.vector_load %arg5[%swap3A_202, %swap3A_203] {strides = array<i32>} : memref<32x1664xi32, #tpu.memory_space<vmem>>, vector<16xi32>,
      tpu.vector_store %arg5[%swap3A_202, %swap3A_203], %broadcast_in_dim3A_3 {strides = array<i32>} : memref<32x1664xi32, #tpu.memory_space<vmem>>, vector<16xi32>,
      %swap3A_205 = arith.index_cast %scan3A_75 : i32 to index
      %swap3A_206 = arith.constant 688 : index
      %swap3A_207 = tpu.vector_load %arg5[%swap3A_205, %swap3A_206] {strides = array<i32>} : memref<32x1664xi32, #tpu.memory_space<vmem>>, vector<16xi32>,
      tpu.vector_store %arg5[%swap3A_205, %swap3A_206], %broadcast_in_dim3A_3 {strides = array<i32>} : memref<32x1664xi32, #tpu.memory_space<vmem>>, vector<16xi32>,
      %swap3A_208 = arith.index_cast %scan3A_75 : i32 to index
      %swap3A_209 = arith.constant 704 : index
      %swap3A_210 = tpu.vector_load %arg5[%swap3A_208, %swap3A_209] {strides = array<i32>} : memref<32x1664xi32, #tpu.memory_space<vmem>>, vector<16xi32>,
      tpu.vector_store %arg5[%swap3A_208, %swap3A_209], %broadcast_in_dim3A_3 {strides = array<i32>} : memref<32x1664xi32, #tpu.memory_space<vmem>>, vector<16xi32>,
      %swap3A_211 = arith.index_cast %scan3A_75 : i32 to index
      %swap3A_212 = arith.constant 720 : index
      %swap3A_213 = tpu.vector_load %arg5[%swap3A_211, %swap3A_212] {strides = array<i32>} : memref<32x1664xi32, #tpu.memory_space<vmem>>, vector<16xi32>,
      tpu.vector_store %arg5[%swap3A_211, %swap3A_212], %broadcast_in_dim3A_3 {strides = array<i32>} : memref<32x1664xi32, #tpu.memory_space<vmem>>, vector<16xi32>,
      %swap3A_214 = arith.index_cast %scan3A_75 : i32 to index
      %swap3A_215 = arith.constant 736 : index
      %swap3A_216 = tpu.vector_load %arg5[%swap3A_214, %swap3A_215] {strides = array<i32>} : memref<32x1664xi32, #tpu.memory_space<vmem>>, vector<16xi32>,
      tpu.vector_store %arg5[%swap3A_214, %swap3A_215], %broadcast_in_dim3A_3 {strides = array<i32>} : memref<32x1664xi32, #tpu.memory_space<vmem>>, vector<16xi32>,
      %swap3A_217 = arith.index_cast %scan3A_75 : i32 to index
      %swap3A_218 = arith.constant 752 : index
      %swap3A_219 = tpu.vector_load %arg5[%swap3A_217, %swap3A_218] {strides = array<i32>} : memref<32x1664xi32, #tpu.memory_space<vmem>>, vector<16xi32>,
      tpu.vector_store %arg5[%swap3A_217, %swap3A_218], %broadcast_in_dim3A_3 {strides = array<i32>} : memref<32x1664xi32, #tpu.memory_space<vmem>>, vector<16xi32>,
      %swap3A_220 = arith.index_cast %scan3A_75 : i32 to index
      %swap3A_221 = arith.constant 768 : index
      %swap3A_222 = tpu.vector_load %arg5[%swap3A_220, %swap3A_221] {strides = array<i32>} : memref<32x1664xi32, #tpu.memory_space<vmem>>, vector<16xi32>,
      tpu.vector_store %arg5[%swap3A_220, %swap3A_221], %broadcast_in_dim3A_3 {strides = array<i32>} : memref<32x1664xi32, #tpu.memory_space<vmem>>, vector<16xi32>,
      %swap3A_223 = arith.index_cast %scan3A_75 : i32 to index
      %swap3A_224 = arith.constant 784 : index
      %swap3A_225 = tpu.vector_load %arg5[%swap3A_223, %swap3A_224] {strides = array<i32>} : memref<32x1664xi32, #tpu.memory_space<vmem>>, vector<16xi32>,
      tpu.vector_store %arg5[%swap3A_223, %swap3A_224], %broadcast_in_dim3A_3 {strides = array<i32>} : memref<32x1664xi32, #tpu.memory_space<vmem>>, vector<16xi32>,
      %swap3A_226 = arith.index_cast %scan3A_75 : i32 to index
      %swap3A_227 = arith.constant 800 : index
      %swap3A_228 = tpu.vector_load %arg5[%swap3A_226, %swap3A_227] {strides = array<i32>} : memref<32x1664xi32, #tpu.memory_space<vmem>>, vector<16xi32>,
      tpu.vector_store %arg5[%swap3A_226, %swap3A_227], %broadcast_in_dim3A_3 {strides = array<i32>} : memref<32x1664xi32, #tpu.memory_space<vmem>>, vector<16xi32>,
      %swap3A_229 = arith.index_cast %scan3A_75 : i32 to index
      %swap3A_230 = arith.constant 816 : index
      %swap3A_231 = tpu.vector_load %arg5[%swap3A_229, %swap3A_230] {strides = array<i32>} : memref<32x1664xi32, #tpu.memory_space<vmem>>, vector<16xi32>,
      tpu.vector_store %arg5[%swap3A_229, %swap3A_230], %broadcast_in_dim3A_3 {strides = array<i32>} : memref<32x1664xi32, #tpu.memory_space<vmem>>, vector<16xi32>,
      %swap3A_232 = arith.index_cast %scan3A_75 : i32 to index
      %swap3A_233 = arith.constant 832 : index
      %swap3A_234 = tpu.vector_load %arg5[%swap3A_232, %swap3A_233] {strides = array<i32>} : memref<32x1664xi32, #tpu.memory_space<vmem>>, vector<16xi32>,
      tpu.vector_store %arg5[%swap3A_232, %swap3A_233], %broadcast_in_dim3A_3 {strides = array<i32>} : memref<32x1664xi32, #tpu.memory_space<vmem>>, vector<16xi32>,
      %swap3A_235 = arith.index_cast %scan3A_75 : i32 to index
      %swap3A_236 = arith.constant 848 : index
      %swap3A_237 = tpu.vector_load %arg5[%swap3A_235, %swap3A_236] {strides = array<i32>} : memref<32x1664xi32, #tpu.memory_space<vmem>>, vector<16xi32>,
      tpu.vector_store %arg5[%swap3A_235, %swap3A_236], %broadcast_in_dim3A_3 {strides = array<i32>} : memref<32x1664xi32, #tpu.memory_space<vmem>>, vector<16xi32>,
      %swap3A_238 = arith.index_cast %scan3A_75 : i32 to index
      %swap3A_239 = arith.constant 864 : index
      %swap3A_240 = tpu.vector_load %arg5[%swap3A_238, %swap3A_239] {strides = array<i32>} : memref<32x1664xi32, #tpu.memory_space<vmem>>, vector<16xi32>,
      tpu.vector_store %arg5[%swap3A_238, %swap3A_239], %broadcast_in_dim3A_3 {strides = array<i32>} : memref<32x1664xi32, #tpu.memory_space<vmem>>, vector<16xi32>,
      %swap3A_241 = arith.index_cast %scan3A_75 : i32 to index
      %swap3A_242 = arith.constant 880 : index
      %swap3A_243 = tpu.vector_load %arg5[%swap3A_241, %swap3A_242] {strides = array<i32>} : memref<32x1664xi32, #tpu.memory_space<vmem>>, vector<16xi32>,
      tpu.vector_store %arg5[%swap3A_241, %swap3A_242], %broadcast_in_dim3A_3 {strides = array<i32>} : memref<32x1664xi32, #tpu.memory_space<vmem>>, vector<16xi32>,
      %swap3A_244 = arith.index_cast %scan3A_75 : i32 to index
      %swap3A_245 = arith.constant 896 : index
      %swap3A_246 = tpu.vector_load %arg5[%swap3A_244, %swap3A_245] {strides = array<i32>} : memref<32x1664xi32, #tpu.memory_space<vmem>>, vector<16xi32>,
      tpu.vector_store %arg5[%swap3A_244, %swap3A_245], %broadcast_in_dim3A_3 {strides = array<i32>} : memref<32x1664xi32, #tpu.memory_space<vmem>>, vector<16xi32>,
      %swap3A_247 = arith.index_cast %scan3A_75 : i32 to index
      %swap3A_248 = arith.constant 912 : index
      %swap3A_249 = tpu.vector_load %arg5[%swap3A_247, %swap3A_248] {strides = array<i32>} : memref<32x1664xi32, #tpu.memory_space<vmem>>, vector<16xi32>,
      tpu.vector_store %arg5[%swap3A_247, %swap3A_248], %broadcast_in_dim3A_3 {strides = array<i32>} : memref<32x1664xi32, #tpu.memory_space<vmem>>, vector<16xi32>,
      %swap3A_250 = arith.index_cast %scan3A_75 : i32 to index
      %swap3A_251 = arith.constant 928 : index
      %swap3A_252 = tpu.vector_load %arg5[%swap3A_250, %swap3A_251] {strides = array<i32>} : memref<32x1664xi32, #tpu.memory_space<vmem>>, vector<16xi32>,
      tpu.vector_store %arg5[%swap3A_250, %swap3A_251], %broadcast_in_dim3A_3 {strides = array<i32>} : memref<32x1664xi32, #tpu.memory_space<vmem>>, vector<16xi32>,
      %swap3A_253 = arith.index_cast %scan3A_75 : i32 to index
      %swap3A_254 = arith.constant 944 : index
      %swap3A_255 = tpu.vector_load %arg5[%swap3A_253, %swap3A_254] {strides = array<i32>} : memref<32x1664xi32, #tpu.memory_space<vmem>>, vector<16xi32>,
      tpu.vector_store %arg5[%swap3A_253, %swap3A_254], %broadcast_in_dim3A_3 {strides = array<i32>} : memref<32x1664xi32, #tpu.memory_space<vmem>>, vector<16xi32>,
      %swap3A_256 = arith.index_cast %scan3A_75 : i32 to index
      %swap3A_257 = arith.constant 960 : index
      %swap3A_258 = tpu.vector_load %arg5[%swap3A_256, %swap3A_257] {strides = array<i32>} : memref<32x1664xi32, #tpu.memory_space<vmem>>, vector<16xi32>,
      tpu.vector_store %arg5[%swap3A_256, %swap3A_257], %broadcast_in_dim3A_3 {strides = array<i32>} : memref<32x1664xi32, #tpu.memory_space<vmem>>, vector<16xi32>,
      %swap3A_259 = arith.index_cast %scan3A_75 : i32 to index
      %swap3A_260 = arith.constant 976 : index
      %swap3A_261 = tpu.vector_load %arg5[%swap3A_259, %swap3A_260] {strides = array<i32>} : memref<32x1664xi32, #tpu.memory_space<vmem>>, vector<16xi32>,
      tpu.vector_store %arg5[%swap3A_259, %swap3A_260], %broadcast_in_dim3A_3 {strides = array<i32>} : memref<32x1664xi32, #tpu.memory_space<vmem>>, vector<16xi32>,
      %swap3A_262 = arith.index_cast %scan3A_75 : i32 to index
      %swap3A_263 = arith.constant 992 : index
      %swap3A_264 = tpu.vector_load %arg5[%swap3A_262, %swap3A_263] {strides = array<i32>} : memref<32x1664xi32, #tpu.memory_space<vmem>>, vector<16xi32>,
      tpu.vector_store %arg5[%swap3A_262, %swap3A_263], %broadcast_in_dim3A_3 {strides = array<i32>} : memref<32x1664xi32, #tpu.memory_space<vmem>>, vector<16xi32>,
      %swap3A_265 = arith.index_cast %scan3A_75 : i32 to index
      %swap3A_266 = arith.constant 1008 : index
      %swap3A_267 = tpu.vector_load %arg5[%swap3A_265, %swap3A_266] {strides = array<i32>} : memref<32x1664xi32, #tpu.memory_space<vmem>>, vector<16xi32>,
      tpu.vector_store %arg5[%swap3A_265, %swap3A_266], %broadcast_in_dim3A_3 {strides = array<i32>} : memref<32x1664xi32, #tpu.memory_space<vmem>>, vector<16xi32>,
      %swap3A_268 = arith.index_cast %scan3A_75 : i32 to index
      %swap3A_269 = arith.constant 1024 : index
      %swap3A_270 = tpu.vector_load %arg5[%swap3A_268, %swap3A_269] {strides = array<i32>} : memref<32x1664xi32, #tpu.memory_space<vmem>>, vector<16xi32>,
      tpu.vector_store %arg5[%swap3A_268, %swap3A_269], %broadcast_in_dim3A_3 {strides = array<i32>} : memref<32x1664xi32, #tpu.memory_space<vmem>>, vector<16xi32>,
      %swap3A_271 = arith.index_cast %scan3A_75 : i32 to index
      %swap3A_272 = arith.constant 1040 : index
      %swap3A_273 = tpu.vector_load %arg5[%swap3A_271, %swap3A_272] {strides = array<i32>} : memref<32x1664xi32, #tpu.memory_space<vmem>>, vector<16xi32>,
      tpu.vector_store %arg5[%swap3A_271, %swap3A_272], %broadcast_in_dim3A_3 {strides = array<i32>} : memref<32x1664xi32, #tpu.memory_space<vmem>>, vector<16xi32>,
      %swap3A_274 = arith.index_cast %scan3A_75 : i32 to index
      %swap3A_275 = arith.constant 1056 : index
      %swap3A_276 = tpu.vector_load %arg5[%swap3A_274, %swap3A_275] {strides = array<i32>} : memref<32x1664xi32, #tpu.memory_space<vmem>>, vector<16xi32>,
      tpu.vector_store %arg5[%swap3A_274, %swap3A_275], %broadcast_in_dim3A_3 {strides = array<i32>} : memref<32x1664xi32, #tpu.memory_space<vmem>>, vector<16xi32>,
      %swap3A_277 = arith.index_cast %scan3A_75 : i32 to index
      %swap3A_278 = arith.constant 1072 : index
      %swap3A_279 = tpu.vector_load %arg5[%swap3A_277, %swap3A_278] {strides = array<i32>} : memref<32x1664xi32, #tpu.memory_space<vmem>>, vector<16xi32>,
      tpu.vector_store %arg5[%swap3A_277, %swap3A_278], %broadcast_in_dim3A_3 {strides = array<i32>} : memref<32x1664xi32, #tpu.memory_space<vmem>>, vector<16xi32>,
      %swap3A_280 = arith.index_cast %scan3A_75 : i32 to index
      %swap3A_281 = arith.constant 1088 : index
      %swap3A_282 = tpu.vector_load %arg5[%swap3A_280, %swap3A_281] {strides = array<i32>} : memref<32x1664xi32, #tpu.memory_space<vmem>>, vector<16xi32>,
      tpu.vector_store %arg5[%swap3A_280, %swap3A_281], %broadcast_in_dim3A_3 {strides = array<i32>} : memref<32x1664xi32, #tpu.memory_space<vmem>>, vector<16xi32>,
      %swap3A_283 = arith.index_cast %scan3A_75 : i32 to index
      %swap3A_284 = arith.constant 1104 : index
      %swap3A_285 = tpu.vector_load %arg5[%swap3A_283, %swap3A_284] {strides = array<i32>} : memref<32x1664xi32, #tpu.memory_space<vmem>>, vector<16xi32>,
      tpu.vector_store %arg5[%swap3A_283, %swap3A_284], %broadcast_in_dim3A_3 {strides = array<i32>} : memref<32x1664xi32, #tpu.memory_space<vmem>>, vector<16xi32>,
      %swap3A_286 = arith.index_cast %scan3A_75 : i32 to index
      %swap3A_287 = arith.constant 1120 : index
      %swap3A_288 = tpu.vector_load %arg5[%swap3A_286, %swap3A_287] {strides = array<i32>} : memref<32x1664xi32, #tpu.memory_space<vmem>>, vector<16xi32>,
      tpu.vector_store %arg5[%swap3A_286, %swap3A_287], %broadcast_in_dim3A_3 {strides = array<i32>} : memref<32x1664xi32, #tpu.memory_space<vmem>>, vector<16xi32>,
      %swap3A_289 = arith.index_cast %scan3A_75 : i32 to index
      %swap3A_290 = arith.constant 1136 : index
      %swap3A_291 = tpu.vector_load %arg5[%swap3A_289, %swap3A_290] {strides = array<i32>} : memref<32x1664xi32, #tpu.memory_space<vmem>>, vector<16xi32>,
      tpu.vector_store %arg5[%swap3A_289, %swap3A_290], %broadcast_in_dim3A_3 {strides = array<i32>} : memref<32x1664xi32, #tpu.memory_space<vmem>>, vector<16xi32>,
      %swap3A_292 = arith.index_cast %scan3A_75 : i32 to index
      %swap3A_293 = arith.constant 1152 : index
      %swap3A_294 = tpu.vector_load %arg5[%swap3A_292, %swap3A_293] {strides = array<i32>} : memref<32x1664xi32, #tpu.memory_space<vmem>>, vector<16xi32>,
      tpu.vector_store %arg5[%swap3A_292, %swap3A_293], %broadcast_in_dim3A_3 {strides = array<i32>} : memref<32x1664xi32, #tpu.memory_space<vmem>>, vector<16xi32>,
      %swap3A_295 = arith.index_cast %scan3A_75 : i32 to index
      %swap3A_296 = arith.constant 1168 : index
      %swap3A_297 = tpu.vector_load %arg5[%swap3A_295, %swap3A_296] {strides = array<i32>} : memref<32x1664xi32, #tpu.memory_space<vmem>>, vector<16xi32>,
      tpu.vector_store %arg5[%swap3A_295, %swap3A_296], %broadcast_in_dim3A_3 {strides = array<i32>} : memref<32x1664xi32, #tpu.memory_space<vmem>>, vector<16xi32>,
      %swap3A_298 = arith.index_cast %scan3A_75 : i32 to index
      %swap3A_299 = arith.constant 1184 : index
      %swap3A_300 = tpu.vector_load %arg5[%swap3A_298, %swap3A_299] {strides = array<i32>} : memref<32x1664xi32, #tpu.memory_space<vmem>>, vector<16xi32>,
      tpu.vector_store %arg5[%swap3A_298, %swap3A_299], %broadcast_in_dim3A_3 {strides = array<i32>} : memref<32x1664xi32, #tpu.memory_space<vmem>>, vector<16xi32>,
      %swap3A_301 = arith.index_cast %scan3A_75 : i32 to index
      %swap3A_302 = arith.constant 1200 : index
      %swap3A_303 = tpu.vector_load %arg5[%swap3A_301, %swap3A_302] {strides = array<i32>} : memref<32x1664xi32, #tpu.memory_space<vmem>>, vector<16xi32>,
      tpu.vector_store %arg5[%swap3A_301, %swap3A_302], %broadcast_in_dim3A_3 {strides = array<i32>} : memref<32x1664xi32, #tpu.memory_space<vmem>>, vector<16xi32>,
      %swap3A_304 = arith.index_cast %scan3A_75 : i32 to index
      %swap3A_305 = arith.constant 1216 : index
      %swap3A_306 = tpu.vector_load %arg5[%swap3A_304, %swap3A_305] {strides = array<i32>} : memref<32x1664xi32, #tpu.memory_space<vmem>>, vector<16xi32>,
      tpu.vector_store %arg5[%swap3A_304, %swap3A_305], %broadcast_in_dim3A_3 {strides = array<i32>} : memref<32x1664xi32, #tpu.memory_space<vmem>>, vector<16xi32>,
      %swap3A_307 = arith.index_cast %scan3A_75 : i32 to index
      %swap3A_308 = arith.constant 1232 : index
      %swap3A_309 = tpu.vector_load %arg5[%swap3A_307, %swap3A_308] {strides = array<i32>} : memref<32x1664xi32, #tpu.memory_space<vmem>>, vector<16xi32>,
      tpu.vector_store %arg5[%swap3A_307, %swap3A_308], %broadcast_in_dim3A_3 {strides = array<i32>} : memref<32x1664xi32, #tpu.memory_space<vmem>>, vector<16xi32>,
      %swap3A_310 = arith.index_cast %scan3A_75 : i32 to index
      %swap3A_311 = arith.constant 1248 : index
      %swap3A_312 = tpu.vector_load %arg5[%swap3A_310, %swap3A_311] {strides = array<i32>} : memref<32x1664xi32, #tpu.memory_space<vmem>>, vector<16xi32>,
      tpu.vector_store %arg5[%swap3A_310, %swap3A_311], %broadcast_in_dim3A_3 {strides = array<i32>} : memref<32x1664xi32, #tpu.memory_space<vmem>>, vector<16xi32>,
      %swap3A_313 = arith.index_cast %scan3A_75 : i32 to index
      %swap3A_314 = arith.constant 1264 : index
      %swap3A_315 = tpu.vector_load %arg5[%swap3A_313, %swap3A_314] {strides = array<i32>} : memref<32x1664xi32, #tpu.memory_space<vmem>>, vector<16xi32>,
      tpu.vector_store %arg5[%swap3A_313, %swap3A_314], %broadcast_in_dim3A_3 {strides = array<i32>} : memref<32x1664xi32, #tpu.memory_space<vmem>>, vector<16xi32>,
      %swap3A_316 = arith.index_cast %scan3A_75 : i32 to index
      %swap3A_317 = arith.constant 1280 : index
      %swap3A_318 = tpu.vector_load %arg5[%swap3A_316, %swap3A_317] {strides = array<i32>} : memref<32x1664xi32, #tpu.memory_space<vmem>>, vector<16xi32>,
      tpu.vector_store %arg5[%swap3A_316, %swap3A_317], %broadcast_in_dim3A_3 {strides = array<i32>} : memref<32x1664xi32, #tpu.memory_space<vmem>>, vector<16xi32>,
      %swap3A_319 = arith.index_cast %scan3A_75 : i32 to index
      %swap3A_320 = arith.constant 1296 : index
      %swap3A_321 = tpu.vector_load %arg5[%swap3A_319, %swap3A_320] {strides = array<i32>} : memref<32x1664xi32, #tpu.memory_space<vmem>>, vector<16xi32>,
      tpu.vector_store %arg5[%swap3A_319, %swap3A_320], %broadcast_in_dim3A_3 {strides = array<i32>} : memref<32x1664xi32, #tpu.memory_space<vmem>>, vector<16xi32>,
      %swap3A_322 = arith.index_cast %scan3A_75 : i32 to index
      %swap3A_323 = arith.constant 1312 : index
      %swap3A_324 = tpu.vector_load %arg5[%swap3A_322, %swap3A_323] {strides = array<i32>} : memref<32x1664xi32, #tpu.memory_space<vmem>>, vector<16xi32>,
      tpu.vector_store %arg5[%swap3A_322, %swap3A_323], %broadcast_in_dim3A_3 {strides = array<i32>} : memref<32x1664xi32, #tpu.memory_space<vmem>>, vector<16xi32>,
      %swap3A_325 = arith.index_cast %scan3A_75 : i32 to index
      %swap3A_326 = arith.constant 1328 : index
      %swap3A_327 = tpu.vector_load %arg5[%swap3A_325, %swap3A_326] {strides = array<i32>} : memref<32x1664xi32, #tpu.memory_space<vmem>>, vector<16xi32>,
      tpu.vector_store %arg5[%swap3A_325, %swap3A_326], %broadcast_in_dim3A_3 {strides = array<i32>} : memref<32x1664xi32, #tpu.memory_space<vmem>>, vector<16xi32>,
      %swap3A_328 = arith.index_cast %scan3A_75 : i32 to index
      %swap3A_329 = arith.constant 1344 : index
      %swap3A_330 = tpu.vector_load %arg5[%swap3A_328, %swap3A_329] {strides = array<i32>} : memref<32x1664xi32, #tpu.memory_space<vmem>>, vector<16xi32>,
      tpu.vector_store %arg5[%swap3A_328, %swap3A_329], %broadcast_in_dim3A_3 {strides = array<i32>} : memref<32x1664xi32, #tpu.memory_space<vmem>>, vector<16xi32>,
      %swap3A_331 = arith.index_cast %scan3A_75 : i32 to index
      %swap3A_332 = arith.constant 1360 : index
      %swap3A_333 = tpu.vector_load %arg5[%swap3A_331, %swap3A_332] {strides = array<i32>} : memref<32x1664xi32, #tpu.memory_space<vmem>>, vector<16xi32>,
      tpu.vector_store %arg5[%swap3A_331, %swap3A_332], %broadcast_in_dim3A_3 {strides = array<i32>} : memref<32x1664xi32, #tpu.memory_space<vmem>>, vector<16xi32>,
      %swap3A_334 = arith.index_cast %scan3A_75 : i32 to index
      %swap3A_335 = arith.constant 1376 : index
      %swap3A_336 = tpu.vector_load %arg5[%swap3A_334, %swap3A_335] {strides = array<i32>} : memref<32x1664xi32, #tpu.memory_space<vmem>>, vector<16xi32>,
      tpu.vector_store %arg5[%swap3A_334, %swap3A_335], %broadcast_in_dim3A_3 {strides = array<i32>} : memref<32x1664xi32, #tpu.memory_space<vmem>>, vector<16xi32>,
      %swap3A_337 = arith.index_cast %scan3A_75 : i32 to index
      %swap3A_338 = arith.constant 1392 : index
      %swap3A_339 = tpu.vector_load %arg5[%swap3A_337, %swap3A_338] {strides = array<i32>} : memref<32x1664xi32, #tpu.memory_space<vmem>>, vector<16xi32>,
      tpu.vector_store %arg5[%swap3A_337, %swap3A_338], %broadcast_in_dim3A_3 {strides = array<i32>} : memref<32x1664xi32, #tpu.memory_space<vmem>>, vector<16xi32>,
      %swap3A_340 = arith.index_cast %scan3A_75 : i32 to index
      %swap3A_341 = arith.constant 1408 : index
      %swap3A_342 = tpu.vector_load %arg5[%swap3A_340, %swap3A_341] {strides = array<i32>} : memref<32x1664xi32, #tpu.memory_space<vmem>>, vector<16xi32>,
      tpu.vector_store %arg5[%swap3A_340, %swap3A_341], %broadcast_in_dim3A_3 {strides = array<i32>} : memref<32x1664xi32, #tpu.memory_space<vmem>>, vector<16xi32>,
      %swap3A_343 = arith.index_cast %scan3A_75 : i32 to index
      %swap3A_344 = arith.constant 1424 : index
      %swap3A_345 = tpu.vector_load %arg5[%swap3A_343, %swap3A_344] {strides = array<i32>} : memref<32x1664xi32, #tpu.memory_space<vmem>>, vector<16xi32>,
      tpu.vector_store %arg5[%swap3A_343, %swap3A_344], %broadcast_in_dim3A_3 {strides = array<i32>} : memref<32x1664xi32, #tpu.memory_space<vmem>>, vector<16xi32>,
      %swap3A_346 = arith.index_cast %scan3A_75 : i32 to index
      %swap3A_347 = arith.constant 1440 : index
      %swap3A_348 = tpu.vector_load %arg5[%swap3A_346, %swap3A_347] {strides = array<i32>} : memref<32x1664xi32, #tpu.memory_space<vmem>>, vector<16xi32>,
      tpu.vector_store %arg5[%swap3A_346, %swap3A_347], %broadcast_in_dim3A_3 {strides = array<i32>} : memref<32x1664xi32, #tpu.memory_space<vmem>>, vector<16xi32>,
      %swap3A_349 = arith.index_cast %scan3A_75 : i32 to index
      %swap3A_350 = arith.constant 1456 : index
      %swap3A_351 = tpu.vector_load %arg5[%swap3A_349, %swap3A_350] {strides = array<i32>} : memref<32x1664xi32, #tpu.memory_space<vmem>>, vector<16xi32>,
      tpu.vector_store %arg5[%swap3A_349, %swap3A_350], %broadcast_in_dim3A_3 {strides = array<i32>} : memref<32x1664xi32, #tpu.memory_space<vmem>>, vector<16xi32>,
      %swap3A_352 = arith.index_cast %scan3A_75 : i32 to index
      %swap3A_353 = arith.constant 1472 : index
      %swap3A_354 = tpu.vector_load %arg5[%swap3A_352, %swap3A_353] {strides = array<i32>} : memref<32x1664xi32, #tpu.memory_space<vmem>>, vector<16xi32>,
      tpu.vector_store %arg5[%swap3A_352, %swap3A_353], %broadcast_in_dim3A_3 {strides = array<i32>} : memref<32x1664xi32, #tpu.memory_space<vmem>>, vector<16xi32>,
      %swap3A_355 = arith.index_cast %scan3A_75 : i32 to index
      %swap3A_356 = arith.constant 1488 : index
      %swap3A_357 = tpu.vector_load %arg5[%swap3A_355, %swap3A_356] {strides = array<i32>} : memref<32x1664xi32, #tpu.memory_space<vmem>>, vector<16xi32>,
      tpu.vector_store %arg5[%swap3A_355, %swap3A_356], %broadcast_in_dim3A_3 {strides = array<i32>} : memref<32x1664xi32, #tpu.memory_space<vmem>>, vector<16xi32>,
      %swap3A_358 = arith.index_cast %scan3A_75 : i32 to index
      %swap3A_359 = arith.constant 1504 : index
      %swap3A_360 = tpu.vector_load %arg5[%swap3A_358, %swap3A_359] {strides = array<i32>} : memref<32x1664xi32, #tpu.memory_space<vmem>>, vector<16xi32>,
      tpu.vector_store %arg5[%swap3A_358, %swap3A_359], %broadcast_in_dim3A_3 {strides = array<i32>} : memref<32x1664xi32, #tpu.memory_space<vmem>>, vector<16xi32>,
      %swap3A_361 = arith.index_cast %scan3A_75 : i32 to index
      %swap3A_362 = arith.constant 1520 : index
      %swap3A_363 = tpu.vector_load %arg5[%swap3A_361, %swap3A_362] {strides = array<i32>} : memref<32x1664xi32, #tpu.memory_space<vmem>>, vector<16xi32>,
      tpu.vector_store %arg5[%swap3A_361, %swap3A_362], %broadcast_in_dim3A_3 {strides = array<i32>} : memref<32x1664xi32, #tpu.memory_space<vmem>>, vector<16xi32>,
      %swap3A_364 = arith.index_cast %scan3A_75 : i32 to index
      %swap3A_365 = arith.constant 1536 : index
      %swap3A_366 = tpu.vector_load %arg5[%swap3A_364, %swap3A_365] {strides = array<i32>} : memref<32x1664xi32, #tpu.memory_space<vmem>>, vector<16xi32>,
      tpu.vector_store %arg5[%swap3A_364, %swap3A_365], %broadcast_in_dim3A_3 {strides = array<i32>} : memref<32x1664xi32, #tpu.memory_space<vmem>>, vector<16xi32>,
      %swap3A_367 = arith.index_cast %scan3A_75 : i32 to index
      %swap3A_368 = arith.constant 1552 : index
      %swap3A_369 = tpu.vector_load %arg5[%swap3A_367, %swap3A_368] {strides = array<i32>} : memref<32x1664xi32, #tpu.memory_space<vmem>>, vector<16xi32>,
      tpu.vector_store %arg5[%swap3A_367, %swap3A_368], %broadcast_in_dim3A_3 {strides = array<i32>} : memref<32x1664xi32, #tpu.memory_space<vmem>>, vector<16xi32>,
      %swap3A_370 = arith.index_cast %scan3A_75 : i32 to index
      %swap3A_371 = arith.constant 1568 : index
      %swap3A_372 = tpu.vector_load %arg5[%swap3A_370, %swap3A_371] {strides = array<i32>} : memref<32x1664xi32, #tpu.memory_space<vmem>>, vector<16xi32>,
      tpu.vector_store %arg5[%swap3A_370, %swap3A_371], %broadcast_in_dim3A_3 {strides = array<i32>} : memref<32x1664xi32, #tpu.memory_space<vmem>>, vector<16xi32>,
      %swap3A_373 = arith.index_cast %scan3A_75 : i32 to index
      %swap3A_374 = arith.constant 1584 : index
      %swap3A_375 = tpu.vector_load %arg5[%swap3A_373, %swap3A_374] {strides = array<i32>} : memref<32x1664xi32, #tpu.memory_space<vmem>>, vector<16xi32>,
      tpu.vector_store %arg5[%swap3A_373, %swap3A_374], %broadcast_in_dim3A_3 {strides = array<i32>} : memref<32x1664xi32, #tpu.memory_space<vmem>>, vector<16xi32>,
      %swap3A_376 = arith.index_cast %scan3A_75 : i32 to index
      %swap3A_377 = arith.constant 1600 : index
      %swap3A_378 = tpu.vector_load %arg5[%swap3A_376, %swap3A_377] {strides = array<i32>} : memref<32x1664xi32, #tpu.memory_space<vmem>>, vector<16xi32>,
      tpu.vector_store %arg5[%swap3A_376, %swap3A_377], %broadcast_in_dim3A_3 {strides = array<i32>} : memref<32x1664xi32, #tpu.memory_space<vmem>>, vector<16xi32>,
      %swap3A_379 = arith.index_cast %scan3A_75 : i32 to index
      %swap3A_380 = arith.constant 1616 : index
      %swap3A_381 = tpu.vector_load %arg5[%swap3A_379, %swap3A_380] {strides = array<i32>} : memref<32x1664xi32, #tpu.memory_space<vmem>>, vector<16xi32>,
      tpu.vector_store %arg5[%swap3A_379, %swap3A_380], %broadcast_in_dim3A_3 {strides = array<i32>} : memref<32x1664xi32, #tpu.memory_space<vmem>>, vector<16xi32>,
      %swap3A_382 = arith.index_cast %scan3A_75 : i32 to index
      %swap3A_383 = arith.constant 1632 : index
      %swap3A_384 = tpu.vector_load %arg5[%swap3A_382, %swap3A_383] {strides = array<i32>} : memref<32x1664xi32, #tpu.memory_space<vmem>>, vector<16xi32>,
      tpu.vector_store %arg5[%swap3A_382, %swap3A_383], %broadcast_in_dim3A_3 {strides = array<i32>} : memref<32x1664xi32, #tpu.memory_space<vmem>>, vector<16xi32>,
      %swap3A_385 = arith.index_cast %scan3A_75 : i32 to index
      %swap3A_386 = arith.constant 1648 : index
      %swap3A_387 = tpu.vector_load %arg5[%swap3A_385, %swap3A_386] {strides = array<i32>} : memref<32x1664xi32, #tpu.memory_space<vmem>>, vector<16xi32>,
      tpu.vector_store %arg5[%swap3A_385, %swap3A_386], %broadcast_in_dim3A_3 {strides = array<i32>} : memref<32x1664xi32, #tpu.memory_space<vmem>>, vector<16xi32>,
      %scan3A_388 = arith.constant 0 : i32
      scf.yield %scan3A_388 : i32
    }
    %scan3A_19 = arith.constant 32 : i32
    %dma_wait3A = arith.constant 0 : i32
    %dma_wait3A_20 = tpu.memref_slice %arg2[%dma_wait3A, %mul3A_5] : memref<26x16384xi32, #tpu.memory_space<hbm>> -> memref<26x512xi32, #tpu.memory_space<hbm>>
    %dma_wait3A_21 = arith.constant 0 : i32
    %dma_wait3A_22 = tpu.memref_slice %arg2[%dma_wait3A_21, %mul3A_5] : memref<26x16384xi32, #tpu.memory_space<hbm>> -> memref<26x512xi32, #tpu.memory_space<hbm>>
    tpu.wait_dma2 semaphore(%arg9 : memref<!tpu.dma_semaphore, #tpu.memory_space<semaphore_mem>>) src(%dma_wait3A_22 : memref<26x512xi32, #tpu.memory_space<hbm>>) dst(%arg4 : memref<26x512xi32, #tpu.memory_space<vmem>>)
    %scan3A_23 = arith.constant 0 : i32
    %scan3A_24 = arith.constant 0 : i32
    %scan3A_25 = arith.constant 26 : i32
    %scan3A_26 = arith.addi %scan3A_24, %scan3A_25 : i32
    %scan3A_27 = arith.constant 1 : i32
    %scan3A_28 = scf.for %scan3A_75 = %scan3A_24 to %scan3A_26 step %scan3A_27 iter_args(%scan3A_76 = %scan3A_23) -> (i32)  : i32 {
      %mul3A_77 = arith.constant 64 : i32
      %mul3A_78 = arith.muli %scan3A_75, %mul3A_77 : i32
      %broadcast_in_dim3A_79 = vector.broadcast %mul3A_78 : i32 to vector<16xi32>
      %get3A = arith.index_cast %scan3A_75 : i32 to index
      %get3A_80 = arith.constant 0 : index
      %get3A_81 = tpu.vector_load %arg4[%get3A, %get3A_80] {strides = array<i32>} : memref<26x512xi32, #tpu.memory_space<vmem>>, vector<16xi32>,
      %add3A_82 = arith.addi %broadcast_in_dim3A_79, %get3A_81 : vector<16xi32>
      tpu.vector_store_idx %arg5[%iota3A, %add3A_82], %broadcast_in_dim3A_1 : memref<32x1664xi32, #tpu.memory_space<vmem>>[vector<16xi32>, vector<16xi32>], vector<16xi32>,
      %get3A_83 = arith.index_cast %scan3A_75 : i32 to index
      %get3A_84 = arith.constant 16 : index
      %get3A_85 = tpu.vector_load %arg4[%get3A_83, %get3A_84] {strides = array<i32>} : memref<26x512xi32, #tpu.memory_space<vmem>>, vector<16xi32>,
      %add3A_86 = arith.addi %broadcast_in_dim3A_79, %get3A_85 : vector<16xi32>
      tpu.vector_store_idx %arg5[%add3A_11, %add3A_86], %broadcast_in_dim3A_1 : memref<32x1664xi32, #tpu.memory_space<vmem>>[vector<16xi32>, vector<16xi32>], vector<16xi32>,
      %scan3A_87 = arith.constant 0 : i32
      scf.yield %scan3A_87 : i32
    }
    %scan3A_29 = arith.constant 26 : i32
    %add3A_30 = arith.constant 0 : i32
    %add3A_31 = arith.addi %mul3A_13, %add3A_30 : i32
    %dma_start3A_32 = arith.constant 0 : i32
    %dma_start3A_33 = tpu.memref_slice %arg3[%add3A_31, %dma_start3A_32] : memref<16384x1664xi32, #tpu.memory_space<hbm>> -> memref<32x1664xi32, #tpu.memory_space<hbm>>
    %dma_start3A_34 = arith.constant 0 : i32
    %dma_start3A_35 = tpu.memref_slice %arg3[%add3A_31, %dma_start3A_34] : memref<16384x1664xi32, #tpu.memory_space<hbm>> -> memref<32x1664xi32, #tpu.memory_space<hbm>>
    tpu.enqueue_dma source(%arg5 : memref<32x1664xi32, #tpu.memory_space<vmem>>) target(%dma_start3A_35 : memref<32x1664xi32, #tpu.memory_space<hbm>>) target_semaphore(%arg7 : memref<!tpu.dma_semaphore, #tpu.memory_space<semaphore_mem>>)
    %scan3A_36 = arith.constant 0 : i32
    %scan3A_37 = arith.constant 0 : i32
    %scan3A_38 = arith.constant 32 : i32
    %scan3A_39 = arith.addi %scan3A_37, %scan3A_38 : i32
    %scan3A_40 = arith.constant 1 : i32
    %scan3A_41 = scf.for %scan3A_75 = %scan3A_37 to %scan3A_39 step %scan3A_40 iter_args(%scan3A_76 = %scan3A_36) -> (i32)  : i32 {
      %swap3A = arith.index_cast %scan3A_75 : i32 to index
      %swap3A_77 = arith.constant 0 : index
      %swap3A_78 = tpu.vector_load %arg6[%swap3A, %swap3A_77] {strides = array<i32>} : memref<32x1664xi32, #tpu.memory_space<vmem>>, vector<16xi32>,
      tpu.vector_store %arg6[%swap3A, %swap3A_77], %broadcast_in_dim3A_3 {strides = array<i32>} : memref<32x1664xi32, #tpu.memory_space<vmem>>, vector<16xi32>,
      %swap3A_79 = arith.index_cast %scan3A_75 : i32 to index
      %swap3A_80 = arith.constant 16 : index
      %swap3A_81 = tpu.vector_load %arg6[%swap3A_79, %swap3A_80] {strides = array<i32>} : memref<32x1664xi32, #tpu.memory_space<vmem>>, vector<16xi32>,
      tpu.vector_store %arg6[%swap3A_79, %swap3A_80], %broadcast_in_dim3A_3 {strides = array<i32>} : memref<32x1664xi32, #tpu.memory_space<vmem>>, vector<16xi32>,
      %swap3A_82 = arith.index_cast %scan3A_75 : i32 to index
      %swap3A_83 = arith.constant 32 : index
      %swap3A_84 = tpu.vector_load %arg6[%swap3A_82, %swap3A_83] {strides = array<i32>} : memref<32x1664xi32, #tpu.memory_space<vmem>>, vector<16xi32>,
      tpu.vector_store %arg6[%swap3A_82, %swap3A_83], %broadcast_in_dim3A_3 {strides = array<i32>} : memref<32x1664xi32, #tpu.memory_space<vmem>>, vector<16xi32>,
      %swap3A_85 = arith.index_cast %scan3A_75 : i32 to index
      %swap3A_86 = arith.constant 48 : index
      %swap3A_87 = tpu.vector_load %arg6[%swap3A_85, %swap3A_86] {strides = array<i32>} : memref<32x1664xi32, #tpu.memory_space<vmem>>, vector<16xi32>,
      tpu.vector_store %arg6[%swap3A_85, %swap3A_86], %broadcast_in_dim3A_3 {strides = array<i32>} : memref<32x1664xi32, #tpu.memory_space<vmem>>, vector<16xi32>,
      %swap3A_88 = arith.index_cast %scan3A_75 : i32 to index
      %swap3A_89 = arith.constant 64 : index
      %swap3A_90 = tpu.vector_load %arg6[%swap3A_88, %swap3A_89] {strides = array<i32>} : memref<32x1664xi32, #tpu.memory_space<vmem>>, vector<16xi32>,
      tpu.vector_store %arg6[%swap3A_88, %swap3A_89], %broadcast_in_dim3A_3 {strides = array<i32>} : memref<32x1664xi32, #tpu.memory_space<vmem>>, vector<16xi32>,
      %swap3A_91 = arith.index_cast %scan3A_75 : i32 to index
      %swap3A_92 = arith.constant 80 : index
      %swap3A_93 = tpu.vector_load %arg6[%swap3A_91, %swap3A_92] {strides = array<i32>} : memref<32x1664xi32, #tpu.memory_space<vmem>>, vector<16xi32>,
      tpu.vector_store %arg6[%swap3A_91, %swap3A_92], %broadcast_in_dim3A_3 {strides = array<i32>} : memref<32x1664xi32, #tpu.memory_space<vmem>>, vector<16xi32>,
      %swap3A_94 = arith.index_cast %scan3A_75 : i32 to index
      %swap3A_95 = arith.constant 96 : index
      %swap3A_96 = tpu.vector_load %arg6[%swap3A_94, %swap3A_95] {strides = array<i32>} : memref<32x1664xi32, #tpu.memory_space<vmem>>, vector<16xi32>,
      tpu.vector_store %arg6[%swap3A_94, %swap3A_95], %broadcast_in_dim3A_3 {strides = array<i32>} : memref<32x1664xi32, #tpu.memory_space<vmem>>, vector<16xi32>,
      %swap3A_97 = arith.index_cast %scan3A_75 : i32 to index
      %swap3A_98 = arith.constant 112 : index
      %swap3A_99 = tpu.vector_load %arg6[%swap3A_97, %swap3A_98] {strides = array<i32>} : memref<32x1664xi32, #tpu.memory_space<vmem>>, vector<16xi32>,
      tpu.vector_store %arg6[%swap3A_97, %swap3A_98], %broadcast_in_dim3A_3 {strides = array<i32>} : memref<32x1664xi32, #tpu.memory_space<vmem>>, vector<16xi32>,
      %swap3A_100 = arith.index_cast %scan3A_75 : i32 to index
      %swap3A_101 = arith.constant 128 : index
      %swap3A_102 = tpu.vector_load %arg6[%swap3A_100, %swap3A_101] {strides = array<i32>} : memref<32x1664xi32, #tpu.memory_space<vmem>>, vector<16xi32>,
      tpu.vector_store %arg6[%swap3A_100, %swap3A_101], %broadcast_in_dim3A_3 {strides = array<i32>} : memref<32x1664xi32, #tpu.memory_space<vmem>>, vector<16xi32>,
      %swap3A_103 = arith.index_cast %scan3A_75 : i32 to index
      %swap3A_104 = arith.constant 144 : index
      %swap3A_105 = tpu.vector_load %arg6[%swap3A_103, %swap3A_104] {strides = array<i32>} : memref<32x1664xi32, #tpu.memory_space<vmem>>, vector<16xi32>,
      tpu.vector_store %arg6[%swap3A_103, %swap3A_104], %broadcast_in_dim3A_3 {strides = array<i32>} : memref<32x1664xi32, #tpu.memory_space<vmem>>, vector<16xi32>,
      %swap3A_106 = arith.index_cast %scan3A_75 : i32 to index
      %swap3A_107 = arith.constant 160 : index
      %swap3A_108 = tpu.vector_load %arg6[%swap3A_106, %swap3A_107] {strides = array<i32>} : memref<32x1664xi32, #tpu.memory_space<vmem>>, vector<16xi32>,
      tpu.vector_store %arg6[%swap3A_106, %swap3A_107], %broadcast_in_dim3A_3 {strides = array<i32>} : memref<32x1664xi32, #tpu.memory_space<vmem>>, vector<16xi32>,
      %swap3A_109 = arith.index_cast %scan3A_75 : i32 to index
      %swap3A_110 = arith.constant 176 : index
      %swap3A_111 = tpu.vector_load %arg6[%swap3A_109, %swap3A_110] {strides = array<i32>} : memref<32x1664xi32, #tpu.memory_space<vmem>>, vector<16xi32>,
      tpu.vector_store %arg6[%swap3A_109, %swap3A_110], %broadcast_in_dim3A_3 {strides = array<i32>} : memref<32x1664xi32, #tpu.memory_space<vmem>>, vector<16xi32>,
      %swap3A_112 = arith.index_cast %scan3A_75 : i32 to index
      %swap3A_113 = arith.constant 192 : index
      %swap3A_114 = tpu.vector_load %arg6[%swap3A_112, %swap3A_113] {strides = array<i32>} : memref<32x1664xi32, #tpu.memory_space<vmem>>, vector<16xi32>,
      tpu.vector_store %arg6[%swap3A_112, %swap3A_113], %broadcast_in_dim3A_3 {strides = array<i32>} : memref<32x1664xi32, #tpu.memory_space<vmem>>, vector<16xi32>,
      %swap3A_115 = arith.index_cast %scan3A_75 : i32 to index
      %swap3A_116 = arith.constant 208 : index
      %swap3A_117 = tpu.vector_load %arg6[%swap3A_115, %swap3A_116] {strides = array<i32>} : memref<32x1664xi32, #tpu.memory_space<vmem>>, vector<16xi32>,
      tpu.vector_store %arg6[%swap3A_115, %swap3A_116], %broadcast_in_dim3A_3 {strides = array<i32>} : memref<32x1664xi32, #tpu.memory_space<vmem>>, vector<16xi32>,
      %swap3A_118 = arith.index_cast %scan3A_75 : i32 to index
      %swap3A_119 = arith.constant 224 : index
      %swap3A_120 = tpu.vector_load %arg6[%swap3A_118, %swap3A_119] {strides = array<i32>} : memref<32x1664xi32, #tpu.memory_space<vmem>>, vector<16xi32>,
      tpu.vector_store %arg6[%swap3A_118, %swap3A_119], %broadcast_in_dim3A_3 {strides = array<i32>} : memref<32x1664xi32, #tpu.memory_space<vmem>>, vector<16xi32>,
      %swap3A_121 = arith.index_cast %scan3A_75 : i32 to index
      %swap3A_122 = arith.constant 240 : index
      %swap3A_123 = tpu.vector_load %arg6[%swap3A_121, %swap3A_122] {strides = array<i32>} : memref<32x1664xi32, #tpu.memory_space<vmem>>, vector<16xi32>,
      tpu.vector_store %arg6[%swap3A_121, %swap3A_122], %broadcast_in_dim3A_3 {strides = array<i32>} : memref<32x1664xi32, #tpu.memory_space<vmem>>, vector<16xi32>,
      %swap3A_124 = arith.index_cast %scan3A_75 : i32 to index
      %swap3A_125 = arith.constant 256 : index
      %swap3A_126 = tpu.vector_load %arg6[%swap3A_124, %swap3A_125] {strides = array<i32>} : memref<32x1664xi32, #tpu.memory_space<vmem>>, vector<16xi32>,
      tpu.vector_store %arg6[%swap3A_124, %swap3A_125], %broadcast_in_dim3A_3 {strides = array<i32>} : memref<32x1664xi32, #tpu.memory_space<vmem>>, vector<16xi32>,
      %swap3A_127 = arith.index_cast %scan3A_75 : i32 to index
      %swap3A_128 = arith.constant 272 : index
      %swap3A_129 = tpu.vector_load %arg6[%swap3A_127, %swap3A_128] {strides = array<i32>} : memref<32x1664xi32, #tpu.memory_space<vmem>>, vector<16xi32>,
      tpu.vector_store %arg6[%swap3A_127, %swap3A_128], %broadcast_in_dim3A_3 {strides = array<i32>} : memref<32x1664xi32, #tpu.memory_space<vmem>>, vector<16xi32>,
      %swap3A_130 = arith.index_cast %scan3A_75 : i32 to index
      %swap3A_131 = arith.constant 288 : index
      %swap3A_132 = tpu.vector_load %arg6[%swap3A_130, %swap3A_131] {strides = array<i32>} : memref<32x1664xi32, #tpu.memory_space<vmem>>, vector<16xi32>,
      tpu.vector_store %arg6[%swap3A_130, %swap3A_131], %broadcast_in_dim3A_3 {strides = array<i32>} : memref<32x1664xi32, #tpu.memory_space<vmem>>, vector<16xi32>,
      %swap3A_133 = arith.index_cast %scan3A_75 : i32 to index
      %swap3A_134 = arith.constant 304 : index
      %swap3A_135 = tpu.vector_load %arg6[%swap3A_133, %swap3A_134] {strides = array<i32>} : memref<32x1664xi32, #tpu.memory_space<vmem>>, vector<16xi32>,
      tpu.vector_store %arg6[%swap3A_133, %swap3A_134], %broadcast_in_dim3A_3 {strides = array<i32>} : memref<32x1664xi32, #tpu.memory_space<vmem>>, vector<16xi32>,
      %swap3A_136 = arith.index_cast %scan3A_75 : i32 to index
      %swap3A_137 = arith.constant 320 : index
      %swap3A_138 = tpu.vector_load %arg6[%swap3A_136, %swap3A_137] {strides = array<i32>} : memref<32x1664xi32, #tpu.memory_space<vmem>>, vector<16xi32>,
      tpu.vector_store %arg6[%swap3A_136, %swap3A_137], %broadcast_in_dim3A_3 {strides = array<i32>} : memref<32x1664xi32, #tpu.memory_space<vmem>>, vector<16xi32>,
      %swap3A_139 = arith.index_cast %scan3A_75 : i32 to index
      %swap3A_140 = arith.constant 336 : index
      %swap3A_141 = tpu.vector_load %arg6[%swap3A_139, %swap3A_140] {strides = array<i32>} : memref<32x1664xi32, #tpu.memory_space<vmem>>, vector<16xi32>,
      tpu.vector_store %arg6[%swap3A_139, %swap3A_140], %broadcast_in_dim3A_3 {strides = array<i32>} : memref<32x1664xi32, #tpu.memory_space<vmem>>, vector<16xi32>,
      %swap3A_142 = arith.index_cast %scan3A_75 : i32 to index
      %swap3A_143 = arith.constant 352 : index
      %swap3A_144 = tpu.vector_load %arg6[%swap3A_142, %swap3A_143] {strides = array<i32>} : memref<32x1664xi32, #tpu.memory_space<vmem>>, vector<16xi32>,
      tpu.vector_store %arg6[%swap3A_142, %swap3A_143], %broadcast_in_dim3A_3 {strides = array<i32>} : memref<32x1664xi32, #tpu.memory_space<vmem>>, vector<16xi32>,
      %swap3A_145 = arith.index_cast %scan3A_75 : i32 to index
      %swap3A_146 = arith.constant 368 : index
      %swap3A_147 = tpu.vector_load %arg6[%swap3A_145, %swap3A_146] {strides = array<i32>} : memref<32x1664xi32, #tpu.memory_space<vmem>>, vector<16xi32>,
      tpu.vector_store %arg6[%swap3A_145, %swap3A_146], %broadcast_in_dim3A_3 {strides = array<i32>} : memref<32x1664xi32, #tpu.memory_space<vmem>>, vector<16xi32>,
      %swap3A_148 = arith.index_cast %scan3A_75 : i32 to index
      %swap3A_149 = arith.constant 384 : index
      %swap3A_150 = tpu.vector_load %arg6[%swap3A_148, %swap3A_149] {strides = array<i32>} : memref<32x1664xi32, #tpu.memory_space<vmem>>, vector<16xi32>,
      tpu.vector_store %arg6[%swap3A_148, %swap3A_149], %broadcast_in_dim3A_3 {strides = array<i32>} : memref<32x1664xi32, #tpu.memory_space<vmem>>, vector<16xi32>,
      %swap3A_151 = arith.index_cast %scan3A_75 : i32 to index
      %swap3A_152 = arith.constant 400 : index
      %swap3A_153 = tpu.vector_load %arg6[%swap3A_151, %swap3A_152] {strides = array<i32>} : memref<32x1664xi32, #tpu.memory_space<vmem>>, vector<16xi32>,
      tpu.vector_store %arg6[%swap3A_151, %swap3A_152], %broadcast_in_dim3A_3 {strides = array<i32>} : memref<32x1664xi32, #tpu.memory_space<vmem>>, vector<16xi32>,
      %swap3A_154 = arith.index_cast %scan3A_75 : i32 to index
      %swap3A_155 = arith.constant 416 : index
      %swap3A_156 = tpu.vector_load %arg6[%swap3A_154, %swap3A_155] {strides = array<i32>} : memref<32x1664xi32, #tpu.memory_space<vmem>>, vector<16xi32>,
      tpu.vector_store %arg6[%swap3A_154, %swap3A_155], %broadcast_in_dim3A_3 {strides = array<i32>} : memref<32x1664xi32, #tpu.memory_space<vmem>>, vector<16xi32>,
      %swap3A_157 = arith.index_cast %scan3A_75 : i32 to index
      %swap3A_158 = arith.constant 432 : index
      %swap3A_159 = tpu.vector_load %arg6[%swap3A_157, %swap3A_158] {strides = array<i32>} : memref<32x1664xi32, #tpu.memory_space<vmem>>, vector<16xi32>,
      tpu.vector_store %arg6[%swap3A_157, %swap3A_158], %broadcast_in_dim3A_3 {strides = array<i32>} : memref<32x1664xi32, #tpu.memory_space<vmem>>, vector<16xi32>,
      %swap3A_160 = arith.index_cast %scan3A_75 : i32 to index
      %swap3A_161 = arith.constant 448 : index
      %swap3A_162 = tpu.vector_load %arg6[%swap3A_160, %swap3A_161] {strides = array<i32>} : memref<32x1664xi32, #tpu.memory_space<vmem>>, vector<16xi32>,
      tpu.vector_store %arg6[%swap3A_160, %swap3A_161], %broadcast_in_dim3A_3 {strides = array<i32>} : memref<32x1664xi32, #tpu.memory_space<vmem>>, vector<16xi32>,
      %swap3A_163 = arith.index_cast %scan3A_75 : i32 to index
      %swap3A_164 = arith.constant 464 : index
      %swap3A_165 = tpu.vector_load %arg6[%swap3A_163, %swap3A_164] {strides = array<i32>} : memref<32x1664xi32, #tpu.memory_space<vmem>>, vector<16xi32>,
      tpu.vector_store %arg6[%swap3A_163, %swap3A_164], %broadcast_in_dim3A_3 {strides = array<i32>} : memref<32x1664xi32, #tpu.memory_space<vmem>>, vector<16xi32>,
      %swap3A_166 = arith.index_cast %scan3A_75 : i32 to index
      %swap3A_167 = arith.constant 480 : index
      %swap3A_168 = tpu.vector_load %arg6[%swap3A_166, %swap3A_167] {strides = array<i32>} : memref<32x1664xi32, #tpu.memory_space<vmem>>, vector<16xi32>,
      tpu.vector_store %arg6[%swap3A_166, %swap3A_167], %broadcast_in_dim3A_3 {strides = array<i32>} : memref<32x1664xi32, #tpu.memory_space<vmem>>, vector<16xi32>,
      %swap3A_169 = arith.index_cast %scan3A_75 : i32 to index
      %swap3A_170 = arith.constant 496 : index
      %swap3A_171 = tpu.vector_load %arg6[%swap3A_169, %swap3A_170] {strides = array<i32>} : memref<32x1664xi32, #tpu.memory_space<vmem>>, vector<16xi32>,
      tpu.vector_store %arg6[%swap3A_169, %swap3A_170], %broadcast_in_dim3A_3 {strides = array<i32>} : memref<32x1664xi32, #tpu.memory_space<vmem>>, vector<16xi32>,
      %swap3A_172 = arith.index_cast %scan3A_75 : i32 to index
      %swap3A_173 = arith.constant 512 : index
      %swap3A_174 = tpu.vector_load %arg6[%swap3A_172, %swap3A_173] {strides = array<i32>} : memref<32x1664xi32, #tpu.memory_space<vmem>>, vector<16xi32>,
      tpu.vector_store %arg6[%swap3A_172, %swap3A_173], %broadcast_in_dim3A_3 {strides = array<i32>} : memref<32x1664xi32, #tpu.memory_space<vmem>>, vector<16xi32>,
      %swap3A_175 = arith.index_cast %scan3A_75 : i32 to index
      %swap3A_176 = arith.constant 528 : index
      %swap3A_177 = tpu.vector_load %arg6[%swap3A_175, %swap3A_176] {strides = array<i32>} : memref<32x1664xi32, #tpu.memory_space<vmem>>, vector<16xi32>,
      tpu.vector_store %arg6[%swap3A_175, %swap3A_176], %broadcast_in_dim3A_3 {strides = array<i32>} : memref<32x1664xi32, #tpu.memory_space<vmem>>, vector<16xi32>,
      %swap3A_178 = arith.index_cast %scan3A_75 : i32 to index
      %swap3A_179 = arith.constant 544 : index
      %swap3A_180 = tpu.vector_load %arg6[%swap3A_178, %swap3A_179] {strides = array<i32>} : memref<32x1664xi32, #tpu.memory_space<vmem>>, vector<16xi32>,
      tpu.vector_store %arg6[%swap3A_178, %swap3A_179], %broadcast_in_dim3A_3 {strides = array<i32>} : memref<32x1664xi32, #tpu.memory_space<vmem>>, vector<16xi32>,
      %swap3A_181 = arith.index_cast %scan3A_75 : i32 to index
      %swap3A_182 = arith.constant 560 : index
      %swap3A_183 = tpu.vector_load %arg6[%swap3A_181, %swap3A_182] {strides = array<i32>} : memref<32x1664xi32, #tpu.memory_space<vmem>>, vector<16xi32>,
      tpu.vector_store %arg6[%swap3A_181, %swap3A_182], %broadcast_in_dim3A_3 {strides = array<i32>} : memref<32x1664xi32, #tpu.memory_space<vmem>>, vector<16xi32>,
      %swap3A_184 = arith.index_cast %scan3A_75 : i32 to index
      %swap3A_185 = arith.constant 576 : index
      %swap3A_186 = tpu.vector_load %arg6[%swap3A_184, %swap3A_185] {strides = array<i32>} : memref<32x1664xi32, #tpu.memory_space<vmem>>, vector<16xi32>,
      tpu.vector_store %arg6[%swap3A_184, %swap3A_185], %broadcast_in_dim3A_3 {strides = array<i32>} : memref<32x1664xi32, #tpu.memory_space<vmem>>, vector<16xi32>,
      %swap3A_187 = arith.index_cast %scan3A_75 : i32 to index
      %swap3A_188 = arith.constant 592 : index
      %swap3A_189 = tpu.vector_load %arg6[%swap3A_187, %swap3A_188] {strides = array<i32>} : memref<32x1664xi32, #tpu.memory_space<vmem>>, vector<16xi32>,
      tpu.vector_store %arg6[%swap3A_187, %swap3A_188], %broadcast_in_dim3A_3 {strides = array<i32>} : memref<32x1664xi32, #tpu.memory_space<vmem>>, vector<16xi32>,
      %swap3A_190 = arith.index_cast %scan3A_75 : i32 to index
      %swap3A_191 = arith.constant 608 : index
      %swap3A_192 = tpu.vector_load %arg6[%swap3A_190, %swap3A_191] {strides = array<i32>} : memref<32x1664xi32, #tpu.memory_space<vmem>>, vector<16xi32>,
      tpu.vector_store %arg6[%swap3A_190, %swap3A_191], %broadcast_in_dim3A_3 {strides = array<i32>} : memref<32x1664xi32, #tpu.memory_space<vmem>>, vector<16xi32>,
      %swap3A_193 = arith.index_cast %scan3A_75 : i32 to index
      %swap3A_194 = arith.constant 624 : index
      %swap3A_195 = tpu.vector_load %arg6[%swap3A_193, %swap3A_194] {strides = array<i32>} : memref<32x1664xi32, #tpu.memory_space<vmem>>, vector<16xi32>,
      tpu.vector_store %arg6[%swap3A_193, %swap3A_194], %broadcast_in_dim3A_3 {strides = array<i32>} : memref<32x1664xi32, #tpu.memory_space<vmem>>, vector<16xi32>,
      %swap3A_196 = arith.index_cast %scan3A_75 : i32 to index
      %swap3A_197 = arith.constant 640 : index
      %swap3A_198 = tpu.vector_load %arg6[%swap3A_196, %swap3A_197] {strides = array<i32>} : memref<32x1664xi32, #tpu.memory_space<vmem>>, vector<16xi32>,
      tpu.vector_store %arg6[%swap3A_196, %swap3A_197], %broadcast_in_dim3A_3 {strides = array<i32>} : memref<32x1664xi32, #tpu.memory_space<vmem>>, vector<16xi32>,
      %swap3A_199 = arith.index_cast %scan3A_75 : i32 to index
      %swap3A_200 = arith.constant 656 : index
      %swap3A_201 = tpu.vector_load %arg6[%swap3A_199, %swap3A_200] {strides = array<i32>} : memref<32x1664xi32, #tpu.memory_space<vmem>>, vector<16xi32>,
      tpu.vector_store %arg6[%swap3A_199, %swap3A_200], %broadcast_in_dim3A_3 {strides = array<i32>} : memref<32x1664xi32, #tpu.memory_space<vmem>>, vector<16xi32>,
      %swap3A_202 = arith.index_cast %scan3A_75 : i32 to index
      %swap3A_203 = arith.constant 672 : index
      %swap3A_204 = tpu.vector_load %arg6[%swap3A_202, %swap3A_203] {strides = array<i32>} : memref<32x1664xi32, #tpu.memory_space<vmem>>, vector<16xi32>,
      tpu.vector_store %arg6[%swap3A_202, %swap3A_203], %broadcast_in_dim3A_3 {strides = array<i32>} : memref<32x1664xi32, #tpu.memory_space<vmem>>, vector<16xi32>,
      %swap3A_205 = arith.index_cast %scan3A_75 : i32 to index
      %swap3A_206 = arith.constant 688 : index
      %swap3A_207 = tpu.vector_load %arg6[%swap3A_205, %swap3A_206] {strides = array<i32>} : memref<32x1664xi32, #tpu.memory_space<vmem>>, vector<16xi32>,
      tpu.vector_store %arg6[%swap3A_205, %swap3A_206], %broadcast_in_dim3A_3 {strides = array<i32>} : memref<32x1664xi32, #tpu.memory_space<vmem>>, vector<16xi32>,
      %swap3A_208 = arith.index_cast %scan3A_75 : i32 to index
      %swap3A_209 = arith.constant 704 : index
      %swap3A_210 = tpu.vector_load %arg6[%swap3A_208, %swap3A_209] {strides = array<i32>} : memref<32x1664xi32, #tpu.memory_space<vmem>>, vector<16xi32>,
      tpu.vector_store %arg6[%swap3A_208, %swap3A_209], %broadcast_in_dim3A_3 {strides = array<i32>} : memref<32x1664xi32, #tpu.memory_space<vmem>>, vector<16xi32>,
      %swap3A_211 = arith.index_cast %scan3A_75 : i32 to index
      %swap3A_212 = arith.constant 720 : index
      %swap3A_213 = tpu.vector_load %arg6[%swap3A_211, %swap3A_212] {strides = array<i32>} : memref<32x1664xi32, #tpu.memory_space<vmem>>, vector<16xi32>,
      tpu.vector_store %arg6[%swap3A_211, %swap3A_212], %broadcast_in_dim3A_3 {strides = array<i32>} : memref<32x1664xi32, #tpu.memory_space<vmem>>, vector<16xi32>,
      %swap3A_214 = arith.index_cast %scan3A_75 : i32 to index
      %swap3A_215 = arith.constant 736 : index
      %swap3A_216 = tpu.vector_load %arg6[%swap3A_214, %swap3A_215] {strides = array<i32>} : memref<32x1664xi32, #tpu.memory_space<vmem>>, vector<16xi32>,
      tpu.vector_store %arg6[%swap3A_214, %swap3A_215], %broadcast_in_dim3A_3 {strides = array<i32>} : memref<32x1664xi32, #tpu.memory_space<vmem>>, vector<16xi32>,
      %swap3A_217 = arith.index_cast %scan3A_75 : i32 to index
      %swap3A_218 = arith.constant 752 : index
      %swap3A_219 = tpu.vector_load %arg6[%swap3A_217, %swap3A_218] {strides = array<i32>} : memref<32x1664xi32, #tpu.memory_space<vmem>>, vector<16xi32>,
      tpu.vector_store %arg6[%swap3A_217, %swap3A_218], %broadcast_in_dim3A_3 {strides = array<i32>} : memref<32x1664xi32, #tpu.memory_space<vmem>>, vector<16xi32>,
      %swap3A_220 = arith.index_cast %scan3A_75 : i32 to index
      %swap3A_221 = arith.constant 768 : index
      %swap3A_222 = tpu.vector_load %arg6[%swap3A_220, %swap3A_221] {strides = array<i32>} : memref<32x1664xi32, #tpu.memory_space<vmem>>, vector<16xi32>,
      tpu.vector_store %arg6[%swap3A_220, %swap3A_221], %broadcast_in_dim3A_3 {strides = array<i32>} : memref<32x1664xi32, #tpu.memory_space<vmem>>, vector<16xi32>,
      %swap3A_223 = arith.index_cast %scan3A_75 : i32 to index
      %swap3A_224 = arith.constant 784 : index
      %swap3A_225 = tpu.vector_load %arg6[%swap3A_223, %swap3A_224] {strides = array<i32>} : memref<32x1664xi32, #tpu.memory_space<vmem>>, vector<16xi32>,
      tpu.vector_store %arg6[%swap3A_223, %swap3A_224], %broadcast_in_dim3A_3 {strides = array<i32>} : memref<32x1664xi32, #tpu.memory_space<vmem>>, vector<16xi32>,
      %swap3A_226 = arith.index_cast %scan3A_75 : i32 to index
      %swap3A_227 = arith.constant 800 : index
      %swap3A_228 = tpu.vector_load %arg6[%swap3A_226, %swap3A_227] {strides = array<i32>} : memref<32x1664xi32, #tpu.memory_space<vmem>>, vector<16xi32>,
      tpu.vector_store %arg6[%swap3A_226, %swap3A_227], %broadcast_in_dim3A_3 {strides = array<i32>} : memref<32x1664xi32, #tpu.memory_space<vmem>>, vector<16xi32>,
      %swap3A_229 = arith.index_cast %scan3A_75 : i32 to index
      %swap3A_230 = arith.constant 816 : index
      %swap3A_231 = tpu.vector_load %arg6[%swap3A_229, %swap3A_230] {strides = array<i32>} : memref<32x1664xi32, #tpu.memory_space<vmem>>, vector<16xi32>,
      tpu.vector_store %arg6[%swap3A_229, %swap3A_230], %broadcast_in_dim3A_3 {strides = array<i32>} : memref<32x1664xi32, #tpu.memory_space<vmem>>, vector<16xi32>,
      %swap3A_232 = arith.index_cast %scan3A_75 : i32 to index
      %swap3A_233 = arith.constant 832 : index
      %swap3A_234 = tpu.vector_load %arg6[%swap3A_232, %swap3A_233] {strides = array<i32>} : memref<32x1664xi32, #tpu.memory_space<vmem>>, vector<16xi32>,
      tpu.vector_store %arg6[%swap3A_232, %swap3A_233], %broadcast_in_dim3A_3 {strides = array<i32>} : memref<32x1664xi32, #tpu.memory_space<vmem>>, vector<16xi32>,
      %swap3A_235 = arith.index_cast %scan3A_75 : i32 to index
      %swap3A_236 = arith.constant 848 : index
      %swap3A_237 = tpu.vector_load %arg6[%swap3A_235, %swap3A_236] {strides = array<i32>} : memref<32x1664xi32, #tpu.memory_space<vmem>>, vector<16xi32>,
      tpu.vector_store %arg6[%swap3A_235, %swap3A_236], %broadcast_in_dim3A_3 {strides = array<i32>} : memref<32x1664xi32, #tpu.memory_space<vmem>>, vector<16xi32>,
      %swap3A_238 = arith.index_cast %scan3A_75 : i32 to index
      %swap3A_239 = arith.constant 864 : index
      %swap3A_240 = tpu.vector_load %arg6[%swap3A_238, %swap3A_239] {strides = array<i32>} : memref<32x1664xi32, #tpu.memory_space<vmem>>, vector<16xi32>,
      tpu.vector_store %arg6[%swap3A_238, %swap3A_239], %broadcast_in_dim3A_3 {strides = array<i32>} : memref<32x1664xi32, #tpu.memory_space<vmem>>, vector<16xi32>,
      %swap3A_241 = arith.index_cast %scan3A_75 : i32 to index
      %swap3A_242 = arith.constant 880 : index
      %swap3A_243 = tpu.vector_load %arg6[%swap3A_241, %swap3A_242] {strides = array<i32>} : memref<32x1664xi32, #tpu.memory_space<vmem>>, vector<16xi32>,
      tpu.vector_store %arg6[%swap3A_241, %swap3A_242], %broadcast_in_dim3A_3 {strides = array<i32>} : memref<32x1664xi32, #tpu.memory_space<vmem>>, vector<16xi32>,
      %swap3A_244 = arith.index_cast %scan3A_75 : i32 to index
      %swap3A_245 = arith.constant 896 : index
      %swap3A_246 = tpu.vector_load %arg6[%swap3A_244, %swap3A_245] {strides = array<i32>} : memref<32x1664xi32, #tpu.memory_space<vmem>>, vector<16xi32>,
      tpu.vector_store %arg6[%swap3A_244, %swap3A_245], %broadcast_in_dim3A_3 {strides = array<i32>} : memref<32x1664xi32, #tpu.memory_space<vmem>>, vector<16xi32>,
      %swap3A_247 = arith.index_cast %scan3A_75 : i32 to index
      %swap3A_248 = arith.constant 912 : index
      %swap3A_249 = tpu.vector_load %arg6[%swap3A_247, %swap3A_248] {strides = array<i32>} : memref<32x1664xi32, #tpu.memory_space<vmem>>, vector<16xi32>,
      tpu.vector_store %arg6[%swap3A_247, %swap3A_248], %broadcast_in_dim3A_3 {strides = array<i32>} : memref<32x1664xi32, #tpu.memory_space<vmem>>, vector<16xi32>,
      %swap3A_250 = arith.index_cast %scan3A_75 : i32 to index
      %swap3A_251 = arith.constant 928 : index
      %swap3A_252 = tpu.vector_load %arg6[%swap3A_250, %swap3A_251] {strides = array<i32>} : memref<32x1664xi32, #tpu.memory_space<vmem>>, vector<16xi32>,
      tpu.vector_store %arg6[%swap3A_250, %swap3A_251], %broadcast_in_dim3A_3 {strides = array<i32>} : memref<32x1664xi32, #tpu.memory_space<vmem>>, vector<16xi32>,
      %swap3A_253 = arith.index_cast %scan3A_75 : i32 to index
      %swap3A_254 = arith.constant 944 : index
      %swap3A_255 = tpu.vector_load %arg6[%swap3A_253, %swap3A_254] {strides = array<i32>} : memref<32x1664xi32, #tpu.memory_space<vmem>>, vector<16xi32>,
      tpu.vector_store %arg6[%swap3A_253, %swap3A_254], %broadcast_in_dim3A_3 {strides = array<i32>} : memref<32x1664xi32, #tpu.memory_space<vmem>>, vector<16xi32>,
      %swap3A_256 = arith.index_cast %scan3A_75 : i32 to index
      %swap3A_257 = arith.constant 960 : index
      %swap3A_258 = tpu.vector_load %arg6[%swap3A_256, %swap3A_257] {strides = array<i32>} : memref<32x1664xi32, #tpu.memory_space<vmem>>, vector<16xi32>,
      tpu.vector_store %arg6[%swap3A_256, %swap3A_257], %broadcast_in_dim3A_3 {strides = array<i32>} : memref<32x1664xi32, #tpu.memory_space<vmem>>, vector<16xi32>,
      %swap3A_259 = arith.index_cast %scan3A_75 : i32 to index
      %swap3A_260 = arith.constant 976 : index
      %swap3A_261 = tpu.vector_load %arg6[%swap3A_259, %swap3A_260] {strides = array<i32>} : memref<32x1664xi32, #tpu.memory_space<vmem>>, vector<16xi32>,
      tpu.vector_store %arg6[%swap3A_259, %swap3A_260], %broadcast_in_dim3A_3 {strides = array<i32>} : memref<32x1664xi32, #tpu.memory_space<vmem>>, vector<16xi32>,
      %swap3A_262 = arith.index_cast %scan3A_75 : i32 to index
      %swap3A_263 = arith.constant 992 : index
      %swap3A_264 = tpu.vector_load %arg6[%swap3A_262, %swap3A_263] {strides = array<i32>} : memref<32x1664xi32, #tpu.memory_space<vmem>>, vector<16xi32>,
      tpu.vector_store %arg6[%swap3A_262, %swap3A_263], %broadcast_in_dim3A_3 {strides = array<i32>} : memref<32x1664xi32, #tpu.memory_space<vmem>>, vector<16xi32>,
      %swap3A_265 = arith.index_cast %scan3A_75 : i32 to index
      %swap3A_266 = arith.constant 1008 : index
      %swap3A_267 = tpu.vector_load %arg6[%swap3A_265, %swap3A_266] {strides = array<i32>} : memref<32x1664xi32, #tpu.memory_space<vmem>>, vector<16xi32>,
      tpu.vector_store %arg6[%swap3A_265, %swap3A_266], %broadcast_in_dim3A_3 {strides = array<i32>} : memref<32x1664xi32, #tpu.memory_space<vmem>>, vector<16xi32>,
      %swap3A_268 = arith.index_cast %scan3A_75 : i32 to index
      %swap3A_269 = arith.constant 1024 : index
      %swap3A_270 = tpu.vector_load %arg6[%swap3A_268, %swap3A_269] {strides = array<i32>} : memref<32x1664xi32, #tpu.memory_space<vmem>>, vector<16xi32>,
      tpu.vector_store %arg6[%swap3A_268, %swap3A_269], %broadcast_in_dim3A_3 {strides = array<i32>} : memref<32x1664xi32, #tpu.memory_space<vmem>>, vector<16xi32>,
      %swap3A_271 = arith.index_cast %scan3A_75 : i32 to index
      %swap3A_272 = arith.constant 1040 : index
      %swap3A_273 = tpu.vector_load %arg6[%swap3A_271, %swap3A_272] {strides = array<i32>} : memref<32x1664xi32, #tpu.memory_space<vmem>>, vector<16xi32>,
      tpu.vector_store %arg6[%swap3A_271, %swap3A_272], %broadcast_in_dim3A_3 {strides = array<i32>} : memref<32x1664xi32, #tpu.memory_space<vmem>>, vector<16xi32>,
      %swap3A_274 = arith.index_cast %scan3A_75 : i32 to index
      %swap3A_275 = arith.constant 1056 : index
      %swap3A_276 = tpu.vector_load %arg6[%swap3A_274, %swap3A_275] {strides = array<i32>} : memref<32x1664xi32, #tpu.memory_space<vmem>>, vector<16xi32>,
      tpu.vector_store %arg6[%swap3A_274, %swap3A_275], %broadcast_in_dim3A_3 {strides = array<i32>} : memref<32x1664xi32, #tpu.memory_space<vmem>>, vector<16xi32>,
      %swap3A_277 = arith.index_cast %scan3A_75 : i32 to index
      %swap3A_278 = arith.constant 1072 : index
      %swap3A_279 = tpu.vector_load %arg6[%swap3A_277, %swap3A_278] {strides = array<i32>} : memref<32x1664xi32, #tpu.memory_space<vmem>>, vector<16xi32>,
      tpu.vector_store %arg6[%swap3A_277, %swap3A_278], %broadcast_in_dim3A_3 {strides = array<i32>} : memref<32x1664xi32, #tpu.memory_space<vmem>>, vector<16xi32>,
      %swap3A_280 = arith.index_cast %scan3A_75 : i32 to index
      %swap3A_281 = arith.constant 1088 : index
      %swap3A_282 = tpu.vector_load %arg6[%swap3A_280, %swap3A_281] {strides = array<i32>} : memref<32x1664xi32, #tpu.memory_space<vmem>>, vector<16xi32>,
      tpu.vector_store %arg6[%swap3A_280, %swap3A_281], %broadcast_in_dim3A_3 {strides = array<i32>} : memref<32x1664xi32, #tpu.memory_space<vmem>>, vector<16xi32>,
      %swap3A_283 = arith.index_cast %scan3A_75 : i32 to index
      %swap3A_284 = arith.constant 1104 : index
      %swap3A_285 = tpu.vector_load %arg6[%swap3A_283, %swap3A_284] {strides = array<i32>} : memref<32x1664xi32, #tpu.memory_space<vmem>>, vector<16xi32>,
      tpu.vector_store %arg6[%swap3A_283, %swap3A_284], %broadcast_in_dim3A_3 {strides = array<i32>} : memref<32x1664xi32, #tpu.memory_space<vmem>>, vector<16xi32>,
      %swap3A_286 = arith.index_cast %scan3A_75 : i32 to index
      %swap3A_287 = arith.constant 1120 : index
      %swap3A_288 = tpu.vector_load %arg6[%swap3A_286, %swap3A_287] {strides = array<i32>} : memref<32x1664xi32, #tpu.memory_space<vmem>>, vector<16xi32>,
      tpu.vector_store %arg6[%swap3A_286, %swap3A_287], %broadcast_in_dim3A_3 {strides = array<i32>} : memref<32x1664xi32, #tpu.memory_space<vmem>>, vector<16xi32>,
      %swap3A_289 = arith.index_cast %scan3A_75 : i32 to index
      %swap3A_290 = arith.constant 1136 : index
      %swap3A_291 = tpu.vector_load %arg6[%swap3A_289, %swap3A_290] {strides = array<i32>} : memref<32x1664xi32, #tpu.memory_space<vmem>>, vector<16xi32>,
      tpu.vector_store %arg6[%swap3A_289, %swap3A_290], %broadcast_in_dim3A_3 {strides = array<i32>} : memref<32x1664xi32, #tpu.memory_space<vmem>>, vector<16xi32>,
      %swap3A_292 = arith.index_cast %scan3A_75 : i32 to index
      %swap3A_293 = arith.constant 1152 : index
      %swap3A_294 = tpu.vector_load %arg6[%swap3A_292, %swap3A_293] {strides = array<i32>} : memref<32x1664xi32, #tpu.memory_space<vmem>>, vector<16xi32>,
      tpu.vector_store %arg6[%swap3A_292, %swap3A_293], %broadcast_in_dim3A_3 {strides = array<i32>} : memref<32x1664xi32, #tpu.memory_space<vmem>>, vector<16xi32>,
      %swap3A_295 = arith.index_cast %scan3A_75 : i32 to index
      %swap3A_296 = arith.constant 1168 : index
      %swap3A_297 = tpu.vector_load %arg6[%swap3A_295, %swap3A_296] {strides = array<i32>} : memref<32x1664xi32, #tpu.memory_space<vmem>>, vector<16xi32>,
      tpu.vector_store %arg6[%swap3A_295, %swap3A_296], %broadcast_in_dim3A_3 {strides = array<i32>} : memref<32x1664xi32, #tpu.memory_space<vmem>>, vector<16xi32>,
      %swap3A_298 = arith.index_cast %scan3A_75 : i32 to index
      %swap3A_299 = arith.constant 1184 : index
      %swap3A_300 = tpu.vector_load %arg6[%swap3A_298, %swap3A_299] {strides = array<i32>} : memref<32x1664xi32, #tpu.memory_space<vmem>>, vector<16xi32>,
      tpu.vector_store %arg6[%swap3A_298, %swap3A_299], %broadcast_in_dim3A_3 {strides = array<i32>} : memref<32x1664xi32, #tpu.memory_space<vmem>>, vector<16xi32>,
      %swap3A_301 = arith.index_cast %scan3A_75 : i32 to index
      %swap3A_302 = arith.constant 1200 : index
      %swap3A_303 = tpu.vector_load %arg6[%swap3A_301, %swap3A_302] {strides = array<i32>} : memref<32x1664xi32, #tpu.memory_space<vmem>>, vector<16xi32>,
      tpu.vector_store %arg6[%swap3A_301, %swap3A_302], %broadcast_in_dim3A_3 {strides = array<i32>} : memref<32x1664xi32, #tpu.memory_space<vmem>>, vector<16xi32>,
      %swap3A_304 = arith.index_cast %scan3A_75 : i32 to index
      %swap3A_305 = arith.constant 1216 : index
      %swap3A_306 = tpu.vector_load %arg6[%swap3A_304, %swap3A_305] {strides = array<i32>} : memref<32x1664xi32, #tpu.memory_space<vmem>>, vector<16xi32>,
      tpu.vector_store %arg6[%swap3A_304, %swap3A_305], %broadcast_in_dim3A_3 {strides = array<i32>} : memref<32x1664xi32, #tpu.memory_space<vmem>>, vector<16xi32>,
      %swap3A_307 = arith.index_cast %scan3A_75 : i32 to index
      %swap3A_308 = arith.constant 1232 : index
      %swap3A_309 = tpu.vector_load %arg6[%swap3A_307, %swap3A_308] {strides = array<i32>} : memref<32x1664xi32, #tpu.memory_space<vmem>>, vector<16xi32>,
      tpu.vector_store %arg6[%swap3A_307, %swap3A_308], %broadcast_in_dim3A_3 {strides = array<i32>} : memref<32x1664xi32, #tpu.memory_space<vmem>>, vector<16xi32>,
      %swap3A_310 = arith.index_cast %scan3A_75 : i32 to index
      %swap3A_311 = arith.constant 1248 : index
      %swap3A_312 = tpu.vector_load %arg6[%swap3A_310, %swap3A_311] {strides = array<i32>} : memref<32x1664xi32, #tpu.memory_space<vmem>>, vector<16xi32>,
      tpu.vector_store %arg6[%swap3A_310, %swap3A_311], %broadcast_in_dim3A_3 {strides = array<i32>} : memref<32x1664xi32, #tpu.memory_space<vmem>>, vector<16xi32>,
      %swap3A_313 = arith.index_cast %scan3A_75 : i32 to index
      %swap3A_314 = arith.constant 1264 : index
      %swap3A_315 = tpu.vector_load %arg6[%swap3A_313, %swap3A_314] {strides = array<i32>} : memref<32x1664xi32, #tpu.memory_space<vmem>>, vector<16xi32>,
      tpu.vector_store %arg6[%swap3A_313, %swap3A_314], %broadcast_in_dim3A_3 {strides = array<i32>} : memref<32x1664xi32, #tpu.memory_space<vmem>>, vector<16xi32>,
      %swap3A_316 = arith.index_cast %scan3A_75 : i32 to index
      %swap3A_317 = arith.constant 1280 : index
      %swap3A_318 = tpu.vector_load %arg6[%swap3A_316, %swap3A_317] {strides = array<i32>} : memref<32x1664xi32, #tpu.memory_space<vmem>>, vector<16xi32>,
      tpu.vector_store %arg6[%swap3A_316, %swap3A_317], %broadcast_in_dim3A_3 {strides = array<i32>} : memref<32x1664xi32, #tpu.memory_space<vmem>>, vector<16xi32>,
      %swap3A_319 = arith.index_cast %scan3A_75 : i32 to index
      %swap3A_320 = arith.constant 1296 : index
      %swap3A_321 = tpu.vector_load %arg6[%swap3A_319, %swap3A_320] {strides = array<i32>} : memref<32x1664xi32, #tpu.memory_space<vmem>>, vector<16xi32>,
      tpu.vector_store %arg6[%swap3A_319, %swap3A_320], %broadcast_in_dim3A_3 {strides = array<i32>} : memref<32x1664xi32, #tpu.memory_space<vmem>>, vector<16xi32>,
      %swap3A_322 = arith.index_cast %scan3A_75 : i32 to index
      %swap3A_323 = arith.constant 1312 : index
      %swap3A_324 = tpu.vector_load %arg6[%swap3A_322, %swap3A_323] {strides = array<i32>} : memref<32x1664xi32, #tpu.memory_space<vmem>>, vector<16xi32>,
      tpu.vector_store %arg6[%swap3A_322, %swap3A_323], %broadcast_in_dim3A_3 {strides = array<i32>} : memref<32x1664xi32, #tpu.memory_space<vmem>>, vector<16xi32>,
      %swap3A_325 = arith.index_cast %scan3A_75 : i32 to index
      %swap3A_326 = arith.constant 1328 : index
      %swap3A_327 = tpu.vector_load %arg6[%swap3A_325, %swap3A_326] {strides = array<i32>} : memref<32x1664xi32, #tpu.memory_space<vmem>>, vector<16xi32>,
      tpu.vector_store %arg6[%swap3A_325, %swap3A_326], %broadcast_in_dim3A_3 {strides = array<i32>} : memref<32x1664xi32, #tpu.memory_space<vmem>>, vector<16xi32>,
      %swap3A_328 = arith.index_cast %scan3A_75 : i32 to index
      %swap3A_329 = arith.constant 1344 : index
      %swap3A_330 = tpu.vector_load %arg6[%swap3A_328, %swap3A_329] {strides = array<i32>} : memref<32x1664xi32, #tpu.memory_space<vmem>>, vector<16xi32>,
      tpu.vector_store %arg6[%swap3A_328, %swap3A_329], %broadcast_in_dim3A_3 {strides = array<i32>} : memref<32x1664xi32, #tpu.memory_space<vmem>>, vector<16xi32>,
      %swap3A_331 = arith.index_cast %scan3A_75 : i32 to index
      %swap3A_332 = arith.constant 1360 : index
      %swap3A_333 = tpu.vector_load %arg6[%swap3A_331, %swap3A_332] {strides = array<i32>} : memref<32x1664xi32, #tpu.memory_space<vmem>>, vector<16xi32>,
      tpu.vector_store %arg6[%swap3A_331, %swap3A_332], %broadcast_in_dim3A_3 {strides = array<i32>} : memref<32x1664xi32, #tpu.memory_space<vmem>>, vector<16xi32>,
      %swap3A_334 = arith.index_cast %scan3A_75 : i32 to index
      %swap3A_335 = arith.constant 1376 : index
      %swap3A_336 = tpu.vector_load %arg6[%swap3A_334, %swap3A_335] {strides = array<i32>} : memref<32x1664xi32, #tpu.memory_space<vmem>>, vector<16xi32>,
      tpu.vector_store %arg6[%swap3A_334, %swap3A_335], %broadcast_in_dim3A_3 {strides = array<i32>} : memref<32x1664xi32, #tpu.memory_space<vmem>>, vector<16xi32>,
      %swap3A_337 = arith.index_cast %scan3A_75 : i32 to index
      %swap3A_338 = arith.constant 1392 : index
      %swap3A_339 = tpu.vector_load %arg6[%swap3A_337, %swap3A_338] {strides = array<i32>} : memref<32x1664xi32, #tpu.memory_space<vmem>>, vector<16xi32>,
      tpu.vector_store %arg6[%swap3A_337, %swap3A_338], %broadcast_in_dim3A_3 {strides = array<i32>} : memref<32x1664xi32, #tpu.memory_space<vmem>>, vector<16xi32>,
      %swap3A_340 = arith.index_cast %scan3A_75 : i32 to index
      %swap3A_341 = arith.constant 1408 : index
      %swap3A_342 = tpu.vector_load %arg6[%swap3A_340, %swap3A_341] {strides = array<i32>} : memref<32x1664xi32, #tpu.memory_space<vmem>>, vector<16xi32>,
      tpu.vector_store %arg6[%swap3A_340, %swap3A_341], %broadcast_in_dim3A_3 {strides = array<i32>} : memref<32x1664xi32, #tpu.memory_space<vmem>>, vector<16xi32>,
      %swap3A_343 = arith.index_cast %scan3A_75 : i32 to index
      %swap3A_344 = arith.constant 1424 : index
      %swap3A_345 = tpu.vector_load %arg6[%swap3A_343, %swap3A_344] {strides = array<i32>} : memref<32x1664xi32, #tpu.memory_space<vmem>>, vector<16xi32>,
      tpu.vector_store %arg6[%swap3A_343, %swap3A_344], %broadcast_in_dim3A_3 {strides = array<i32>} : memref<32x1664xi32, #tpu.memory_space<vmem>>, vector<16xi32>,
      %swap3A_346 = arith.index_cast %scan3A_75 : i32 to index
      %swap3A_347 = arith.constant 1440 : index
      %swap3A_348 = tpu.vector_load %arg6[%swap3A_346, %swap3A_347] {strides = array<i32>} : memref<32x1664xi32, #tpu.memory_space<vmem>>, vector<16xi32>,
      tpu.vector_store %arg6[%swap3A_346, %swap3A_347], %broadcast_in_dim3A_3 {strides = array<i32>} : memref<32x1664xi32, #tpu.memory_space<vmem>>, vector<16xi32>,
      %swap3A_349 = arith.index_cast %scan3A_75 : i32 to index
      %swap3A_350 = arith.constant 1456 : index
      %swap3A_351 = tpu.vector_load %arg6[%swap3A_349, %swap3A_350] {strides = array<i32>} : memref<32x1664xi32, #tpu.memory_space<vmem>>, vector<16xi32>,
      tpu.vector_store %arg6[%swap3A_349, %swap3A_350], %broadcast_in_dim3A_3 {strides = array<i32>} : memref<32x1664xi32, #tpu.memory_space<vmem>>, vector<16xi32>,
      %swap3A_352 = arith.index_cast %scan3A_75 : i32 to index
      %swap3A_353 = arith.constant 1472 : index
      %swap3A_354 = tpu.vector_load %arg6[%swap3A_352, %swap3A_353] {strides = array<i32>} : memref<32x1664xi32, #tpu.memory_space<vmem>>, vector<16xi32>,
      tpu.vector_store %arg6[%swap3A_352, %swap3A_353], %broadcast_in_dim3A_3 {strides = array<i32>} : memref<32x1664xi32, #tpu.memory_space<vmem>>, vector<16xi32>,
      %swap3A_355 = arith.index_cast %scan3A_75 : i32 to index
      %swap3A_356 = arith.constant 1488 : index
      %swap3A_357 = tpu.vector_load %arg6[%swap3A_355, %swap3A_356] {strides = array<i32>} : memref<32x1664xi32, #tpu.memory_space<vmem>>, vector<16xi32>,
      tpu.vector_store %arg6[%swap3A_355, %swap3A_356], %broadcast_in_dim3A_3 {strides = array<i32>} : memref<32x1664xi32, #tpu.memory_space<vmem>>, vector<16xi32>,
      %swap3A_358 = arith.index_cast %scan3A_75 : i32 to index
      %swap3A_359 = arith.constant 1504 : index
      %swap3A_360 = tpu.vector_load %arg6[%swap3A_358, %swap3A_359] {strides = array<i32>} : memref<32x1664xi32, #tpu.memory_space<vmem>>, vector<16xi32>,
      tpu.vector_store %arg6[%swap3A_358, %swap3A_359], %broadcast_in_dim3A_3 {strides = array<i32>} : memref<32x1664xi32, #tpu.memory_space<vmem>>, vector<16xi32>,
      %swap3A_361 = arith.index_cast %scan3A_75 : i32 to index
      %swap3A_362 = arith.constant 1520 : index
      %swap3A_363 = tpu.vector_load %arg6[%swap3A_361, %swap3A_362] {strides = array<i32>} : memref<32x1664xi32, #tpu.memory_space<vmem>>, vector<16xi32>,
      tpu.vector_store %arg6[%swap3A_361, %swap3A_362], %broadcast_in_dim3A_3 {strides = array<i32>} : memref<32x1664xi32, #tpu.memory_space<vmem>>, vector<16xi32>,
      %swap3A_364 = arith.index_cast %scan3A_75 : i32 to index
      %swap3A_365 = arith.constant 1536 : index
      %swap3A_366 = tpu.vector_load %arg6[%swap3A_364, %swap3A_365] {strides = array<i32>} : memref<32x1664xi32, #tpu.memory_space<vmem>>, vector<16xi32>,
      tpu.vector_store %arg6[%swap3A_364, %swap3A_365], %broadcast_in_dim3A_3 {strides = array<i32>} : memref<32x1664xi32, #tpu.memory_space<vmem>>, vector<16xi32>,
      %swap3A_367 = arith.index_cast %scan3A_75 : i32 to index
      %swap3A_368 = arith.constant 1552 : index
      %swap3A_369 = tpu.vector_load %arg6[%swap3A_367, %swap3A_368] {strides = array<i32>} : memref<32x1664xi32, #tpu.memory_space<vmem>>, vector<16xi32>,
      tpu.vector_store %arg6[%swap3A_367, %swap3A_368], %broadcast_in_dim3A_3 {strides = array<i32>} : memref<32x1664xi32, #tpu.memory_space<vmem>>, vector<16xi32>,
      %swap3A_370 = arith.index_cast %scan3A_75 : i32 to index
      %swap3A_371 = arith.constant 1568 : index
      %swap3A_372 = tpu.vector_load %arg6[%swap3A_370, %swap3A_371] {strides = array<i32>} : memref<32x1664xi32, #tpu.memory_space<vmem>>, vector<16xi32>,
      tpu.vector_store %arg6[%swap3A_370, %swap3A_371], %broadcast_in_dim3A_3 {strides = array<i32>} : memref<32x1664xi32, #tpu.memory_space<vmem>>, vector<16xi32>,
      %swap3A_373 = arith.index_cast %scan3A_75 : i32 to index
      %swap3A_374 = arith.constant 1584 : index
      %swap3A_375 = tpu.vector_load %arg6[%swap3A_373, %swap3A_374] {strides = array<i32>} : memref<32x1664xi32, #tpu.memory_space<vmem>>, vector<16xi32>,
      tpu.vector_store %arg6[%swap3A_373, %swap3A_374], %broadcast_in_dim3A_3 {strides = array<i32>} : memref<32x1664xi32, #tpu.memory_space<vmem>>, vector<16xi32>,
      %swap3A_376 = arith.index_cast %scan3A_75 : i32 to index
      %swap3A_377 = arith.constant 1600 : index
      %swap3A_378 = tpu.vector_load %arg6[%swap3A_376, %swap3A_377] {strides = array<i32>} : memref<32x1664xi32, #tpu.memory_space<vmem>>, vector<16xi32>,
      tpu.vector_store %arg6[%swap3A_376, %swap3A_377], %broadcast_in_dim3A_3 {strides = array<i32>} : memref<32x1664xi32, #tpu.memory_space<vmem>>, vector<16xi32>,
      %swap3A_379 = arith.index_cast %scan3A_75 : i32 to index
      %swap3A_380 = arith.constant 1616 : index
      %swap3A_381 = tpu.vector_load %arg6[%swap3A_379, %swap3A_380] {strides = array<i32>} : memref<32x1664xi32, #tpu.memory_space<vmem>>, vector<16xi32>,
      tpu.vector_store %arg6[%swap3A_379, %swap3A_380], %broadcast_in_dim3A_3 {strides = array<i32>} : memref<32x1664xi32, #tpu.memory_space<vmem>>, vector<16xi32>,
      %swap3A_382 = arith.index_cast %scan3A_75 : i32 to index
      %swap3A_383 = arith.constant 1632 : index
      %swap3A_384 = tpu.vector_load %arg6[%swap3A_382, %swap3A_383] {strides = array<i32>} : memref<32x1664xi32, #tpu.memory_space<vmem>>, vector<16xi32>,
      tpu.vector_store %arg6[%swap3A_382, %swap3A_383], %broadcast_in_dim3A_3 {strides = array<i32>} : memref<32x1664xi32, #tpu.memory_space<vmem>>, vector<16xi32>,
      %swap3A_385 = arith.index_cast %scan3A_75 : i32 to index
      %swap3A_386 = arith.constant 1648 : index
      %swap3A_387 = tpu.vector_load %arg6[%swap3A_385, %swap3A_386] {strides = array<i32>} : memref<32x1664xi32, #tpu.memory_space<vmem>>, vector<16xi32>,
      tpu.vector_store %arg6[%swap3A_385, %swap3A_386], %broadcast_in_dim3A_3 {strides = array<i32>} : memref<32x1664xi32, #tpu.memory_space<vmem>>, vector<16xi32>,
      %scan3A_388 = arith.constant 0 : i32
      scf.yield %scan3A_388 : i32
    }
    %scan3A_42 = arith.constant 32 : i32
    %scan3A_43 = arith.constant 0 : i32
    %scan3A_44 = arith.constant 0 : i32
    %scan3A_45 = arith.constant 26 : i32
    %scan3A_46 = arith.addi %scan3A_44, %scan3A_45 : i32
    %scan3A_47 = arith.constant 1 : i32
    %scan3A_48 = scf.for %scan3A_75 = %scan3A_44 to %scan3A_46 step %scan3A_47 iter_args(%scan3A_76 = %scan3A_43) -> (i32)  : i32 {
      %mul3A_77 = arith.constant 64 : i32
      %mul3A_78 = arith.muli %scan3A_75, %mul3A_77 : i32
      %broadcast_in_dim3A_79 = vector.broadcast %mul3A_78 : i32 to vector<16xi32>
      %get3A = arith.index_cast %scan3A_75 : i32 to index
      %get3A_80 = arith.constant 32 : index
      %get3A_81 = tpu.vector_load %arg4[%get3A, %get3A_80] {strides = array<i32>} : memref<26x512xi32, #tpu.memory_space<vmem>>, vector<16xi32>,
      %add3A_82 = arith.addi %broadcast_in_dim3A_79, %get3A_81 : vector<16xi32>
      tpu.vector_store_idx %arg6[%iota3A, %add3A_82], %broadcast_in_dim3A_1 : memref<32x1664xi32, #tpu.memory_space<vmem>>[vector<16xi32>, vector<16xi32>], vector<16xi32>,
      %get3A_83 = arith.index_cast %scan3A_75 : i32 to index
      %get3A_84 = arith.constant 48 : index
      %get3A_85 = tpu.vector_load %arg4[%get3A_83, %get3A_84] {strides = array<i32>} : memref<26x512xi32, #tpu.memory_space<vmem>>, vector<16xi32>,
      %add3A_86 = arith.addi %broadcast_in_dim3A_79, %get3A_85 : vector<16xi32>
      tpu.vector_store_idx %arg6[%add3A_11, %add3A_86], %broadcast_in_dim3A_1 : memref<32x1664xi32, #tpu.memory_space<vmem>>[vector<16xi32>, vector<16xi32>], vector<16xi32>,
      %scan3A_87 = arith.constant 0 : i32
      scf.yield %scan3A_87 : i32
    }
    %scan3A_49 = arith.constant 26 : i32
    %add3A_50 = arith.constant 32 : i32
    %add3A_51 = arith.addi %mul3A_13, %add3A_50 : i32
    %dma_start3A_52 = arith.constant 0 : i32
    %dma_start3A_53 = tpu.memref_slice %arg3[%add3A_51, %dma_start3A_52] : memref<16384x1664xi32, #tpu.memory_space<hbm>> -> memref<32x1664xi32, #tpu.memory_space<hbm>>
    %dma_start3A_54 = arith.constant 0 : i32
    %dma_start3A_55 = tpu.memref_slice %arg3[%add3A_51, %dma_start3A_54] : memref<16384x1664xi32, #tpu.memory_space<hbm>> -> memref<32x1664xi32, #tpu.memory_space<hbm>>
    tpu.enqueue_dma source(%arg6 : memref<32x1664xi32, #tpu.memory_space<vmem>>) target(%dma_start3A_55 : memref<32x1664xi32, #tpu.memory_space<hbm>>) target_semaphore(%arg8 : memref<!tpu.dma_semaphore, #tpu.memory_space<semaphore_mem>>)
    %scan3A_56 = arith.constant 0 : i32
    %scan3A_57 = arith.constant 1 : i32
    %scan3A_58 = arith.constant 7 : i32
    %scan3A_59 = arith.addi %scan3A_57, %scan3A_58 : i32
    %scan3A_60 = arith.constant 1 : i32
    %scan3A_61 = scf.for %scan3A_75 = %scan3A_57 to %scan3A_59 step %scan3A_60 iter_args(%scan3A_76 = %scan3A_56) -> (i32)  : i32 {
      %mul3A_77 = arith.constant 2 : i32
      %mul3A_78 = arith.muli %mul3A_77, %scan3A_75 : i32
      %mul3A_79 = arith.constant 2 : i32
      %mul3A_80 = arith.muli %mul3A_79, %scan3A_75 : i32
      %add3A_81 = arith.constant 1 : i32
      %add3A_82 = arith.addi %mul3A_80, %add3A_81 : i32
      %sub3A = arith.constant 2 : i32
      %sub3A_83 = arith.subi %mul3A_78, %sub3A : i32
      %mul3A_84 = arith.constant 32 : i32
      %mul3A_85 = arith.muli %sub3A_83, %mul3A_84 : i32
      %add3A_86 = arith.addi %mul3A_13, %mul3A_85 : i32
      %dma_wait3A_87 = arith.constant 0 : i32
      %dma_wait3A_88 = tpu.memref_slice %arg3[%add3A_86, %dma_wait3A_87] : memref<16384x1664xi32, #tpu.memory_space<hbm>> -> memref<32x1664xi32, #tpu.memory_space<hbm>>
      %dma_wait3A_89 = arith.constant 0 : i32
      %dma_wait3A_90 = tpu.memref_slice %arg3[%add3A_86, %dma_wait3A_89] : memref<16384x1664xi32, #tpu.memory_space<hbm>> -> memref<32x1664xi32, #tpu.memory_space<hbm>>
      tpu.wait_dma2 semaphore(%arg7 : memref<!tpu.dma_semaphore, #tpu.memory_space<semaphore_mem>>) src(%arg5 : memref<32x1664xi32, #tpu.memory_space<vmem>>) dst(%dma_wait3A_90 : memref<32x1664xi32, #tpu.memory_space<hbm>>)
      %sub3A_91 = arith.constant 2 : i32
      %sub3A_92 = arith.subi %mul3A_78, %sub3A_91 : i32
      %mul3A_93 = arith.constant 32 : i32
      %mul3A_94 = arith.muli %sub3A_92, %mul3A_93 : i32
      %scan3A_95 = arith.constant 0 : i32
      %scan3A_96 = arith.constant 0 : i32
      %scan3A_97 = arith.constant 26 : i32
      %scan3A_98 = arith.addi %scan3A_96, %scan3A_97 : i32
      %scan3A_99 = arith.constant 1 : i32
      %scan3A_100 = scf.for %scan3A_155 = %scan3A_96 to %scan3A_98 step %scan3A_99 iter_args(%scan3A_156 = %scan3A_95) -> (i32)  : i32 {
        %mul3A_157 = arith.constant 64 : i32
        %mul3A_158 = arith.muli %scan3A_155, %mul3A_157 : i32
        %broadcast_in_dim3A_159 = vector.broadcast %mul3A_158 : i32 to vector<16xi32>
        %get3A = arith.index_cast %scan3A_155 : i32 to index
        %get3A_160 = arith.index_cast %mul3A_94 : i32 to index
        %get3A_161 = tpu.vector_load %arg4[%get3A, %get3A_160] {strides = array<i32>} : memref<26x512xi32, #tpu.memory_space<vmem>>, vector<16xi32>,
        %add3A_162 = arith.addi %broadcast_in_dim3A_159, %get3A_161 : vector<16xi32>
        tpu.vector_store_idx %arg5[%iota3A, %add3A_162], %broadcast_in_dim3A_3 : memref<32x1664xi32, #tpu.memory_space<vmem>>[vector<16xi32>, vector<16xi32>], vector<16xi32>,
        %add3A_163 = arith.constant 16 : i32
        %add3A_164 = arith.addi %mul3A_94, %add3A_163 : i32
        %get3A_165 = arith.index_cast %scan3A_155 : i32 to index
        %get3A_166 = arith.index_cast %add3A_164 : i32 to index
        %get3A_167 = tpu.vector_load %arg4[%get3A_165, %get3A_166] {strides = array<i32>} : memref<26x512xi32, #tpu.memory_space<vmem>>, vector<16xi32>,
        %add3A_168 = arith.addi %broadcast_in_dim3A_159, %get3A_167 : vector<16xi32>
        tpu.vector_store_idx %arg5[%add3A_11, %add3A_168], %broadcast_in_dim3A_3 : memref<32x1664xi32, #tpu.memory_space<vmem>>[vector<16xi32>, vector<16xi32>], vector<16xi32>,
        %scan3A_169 = arith.constant 0 : i32
        scf.yield %scan3A_169 : i32
      }
      %scan3A_101 = arith.constant 26 : i32
      %mul3A_102 = arith.constant 32 : i32
      %mul3A_103 = arith.muli %mul3A_78, %mul3A_102 : i32
      %scan3A_104 = arith.constant 0 : i32
      %scan3A_105 = arith.constant 0 : i32
      %scan3A_106 = arith.constant 26 : i32
      %scan3A_107 = arith.addi %scan3A_105, %scan3A_106 : i32
      %scan3A_108 = arith.constant 1 : i32
      %scan3A_109 = scf.for %scan3A_155 = %scan3A_105 to %scan3A_107 step %scan3A_108 iter_args(%scan3A_156 = %scan3A_104) -> (i32)  : i32 {
        %mul3A_157 = arith.constant 64 : i32
        %mul3A_158 = arith.muli %scan3A_155, %mul3A_157 : i32
        %broadcast_in_dim3A_159 = vector.broadcast %mul3A_158 : i32 to vector<16xi32>
        %get3A = arith.index_cast %scan3A_155 : i32 to index
        %get3A_160 = arith.index_cast %mul3A_103 : i32 to index
        %get3A_161 = tpu.vector_load %arg4[%get3A, %get3A_160] {strides = array<i32>} : memref<26x512xi32, #tpu.memory_space<vmem>>, vector<16xi32>,
        %add3A_162 = arith.addi %broadcast_in_dim3A_159, %get3A_161 : vector<16xi32>
        tpu.vector_store_idx %arg5[%iota3A, %add3A_162], %broadcast_in_dim3A_1 : memref<32x1664xi32, #tpu.memory_space<vmem>>[vector<16xi32>, vector<16xi32>], vector<16xi32>,
        %add3A_163 = arith.constant 16 : i32
        %add3A_164 = arith.addi %mul3A_103, %add3A_163 : i32
        %get3A_165 = arith.index_cast %scan3A_155 : i32 to index
        %get3A_166 = arith.index_cast %add3A_164 : i32 to index
        %get3A_167 = tpu.vector_load %arg4[%get3A_165, %get3A_166] {strides = array<i32>} : memref<26x512xi32, #tpu.memory_space<vmem>>, vector<16xi32>,
        %add3A_168 = arith.addi %broadcast_in_dim3A_159, %get3A_167 : vector<16xi32>
        tpu.vector_store_idx %arg5[%add3A_11, %add3A_168], %broadcast_in_dim3A_1 : memref<32x1664xi32, #tpu.memory_space<vmem>>[vector<16xi32>, vector<16xi32>], vector<16xi32>,
        %scan3A_169 = arith.constant 0 : i32
        scf.yield %scan3A_169 : i32
      }
      %scan3A_110 = arith.constant 26 : i32
      %mul3A_111 = arith.constant 32 : i32
      %mul3A_112 = arith.muli %mul3A_78, %mul3A_111 : i32
      %add3A_113 = arith.addi %mul3A_13, %mul3A_112 : i32
      %dma_start3A_114 = arith.constant 0 : i32
      %dma_start3A_115 = tpu.memref_slice %arg3[%add3A_113, %dma_start3A_114] : memref<16384x1664xi32, #tpu.memory_space<hbm>> -> memref<32x1664xi32, #tpu.memory_space<hbm>>
      %dma_start3A_116 = arith.constant 0 : i32
      %dma_start3A_117 = tpu.memref_slice %arg3[%add3A_113, %dma_start3A_116] : memref<16384x1664xi32, #tpu.memory_space<hbm>> -> memref<32x1664xi32, #tpu.memory_space<hbm>>
      tpu.enqueue_dma source(%arg5 : memref<32x1664xi32, #tpu.memory_space<vmem>>) target(%dma_start3A_117 : memref<32x1664xi32, #tpu.memory_space<hbm>>) target_semaphore(%arg7 : memref<!tpu.dma_semaphore, #tpu.memory_space<semaphore_mem>>)
      %sub3A_118 = arith.constant 2 : i32
      %sub3A_119 = arith.subi %add3A_82, %sub3A_118 : i32
      %mul3A_120 = arith.constant 32 : i32
      %mul3A_121 = arith.muli %sub3A_119, %mul3A_120 : i32
      %add3A_122 = arith.addi %mul3A_13, %mul3A_121 : i32
      %dma_wait3A_123 = arith.constant 0 : i32
      %dma_wait3A_124 = tpu.memref_slice %arg3[%add3A_122, %dma_wait3A_123] : memref<16384x1664xi32, #tpu.memory_space<hbm>> -> memref<32x1664xi32, #tpu.memory_space<hbm>>
      %dma_wait3A_125 = arith.constant 0 : i32
      %dma_wait3A_126 = tpu.memref_slice %arg3[%add3A_122, %dma_wait3A_125] : memref<16384x1664xi32, #tpu.memory_space<hbm>> -> memref<32x1664xi32, #tpu.memory_space<hbm>>
      tpu.wait_dma2 semaphore(%arg8 : memref<!tpu.dma_semaphore, #tpu.memory_space<semaphore_mem>>) src(%arg6 : memref<32x1664xi32, #tpu.memory_space<vmem>>) dst(%dma_wait3A_126 : memref<32x1664xi32, #tpu.memory_space<hbm>>)
      %sub3A_127 = arith.constant 2 : i32
      %sub3A_128 = arith.subi %add3A_82, %sub3A_127 : i32
      %mul3A_129 = arith.constant 32 : i32
      %mul3A_130 = arith.muli %sub3A_128, %mul3A_129 : i32
      %scan3A_131 = arith.constant 0 : i32
      %scan3A_132 = arith.constant 0 : i32
      %scan3A_133 = arith.constant 26 : i32
      %scan3A_134 = arith.addi %scan3A_132, %scan3A_133 : i32
      %scan3A_135 = arith.constant 1 : i32
      %scan3A_136 = scf.for %scan3A_155 = %scan3A_132 to %scan3A_134 step %scan3A_135 iter_args(%scan3A_156 = %scan3A_131) -> (i32)  : i32 {
        %mul3A_157 = arith.constant 64 : i32
        %mul3A_158 = arith.muli %scan3A_155, %mul3A_157 : i32
        %broadcast_in_dim3A_159 = vector.broadcast %mul3A_158 : i32 to vector<16xi32>
        %get3A = arith.index_cast %scan3A_155 : i32 to index
        %get3A_160 = arith.index_cast %mul3A_130 : i32 to index
        %get3A_161 = tpu.vector_load %arg4[%get3A, %get3A_160] {strides = array<i32>} : memref<26x512xi32, #tpu.memory_space<vmem>>, vector<16xi32>,
        %add3A_162 = arith.addi %broadcast_in_dim3A_159, %get3A_161 : vector<16xi32>
        tpu.vector_store_idx %arg6[%iota3A, %add3A_162], %broadcast_in_dim3A_3 : memref<32x1664xi32, #tpu.memory_space<vmem>>[vector<16xi32>, vector<16xi32>], vector<16xi32>,
        %add3A_163 = arith.constant 16 : i32
        %add3A_164 = arith.addi %mul3A_130, %add3A_163 : i32
        %get3A_165 = arith.index_cast %scan3A_155 : i32 to index
        %get3A_166 = arith.index_cast %add3A_164 : i32 to index
        %get3A_167 = tpu.vector_load %arg4[%get3A_165, %get3A_166] {strides = array<i32>} : memref<26x512xi32, #tpu.memory_space<vmem>>, vector<16xi32>,
        %add3A_168 = arith.addi %broadcast_in_dim3A_159, %get3A_167 : vector<16xi32>
        tpu.vector_store_idx %arg6[%add3A_11, %add3A_168], %broadcast_in_dim3A_3 : memref<32x1664xi32, #tpu.memory_space<vmem>>[vector<16xi32>, vector<16xi32>], vector<16xi32>,
        %scan3A_169 = arith.constant 0 : i32
        scf.yield %scan3A_169 : i32
      }
      %scan3A_137 = arith.constant 26 : i32
      %mul3A_138 = arith.constant 32 : i32
      %mul3A_139 = arith.muli %add3A_82, %mul3A_138 : i32
      %scan3A_140 = arith.constant 0 : i32
      %scan3A_141 = arith.constant 0 : i32
      %scan3A_142 = arith.constant 26 : i32
      %scan3A_143 = arith.addi %scan3A_141, %scan3A_142 : i32
      %scan3A_144 = arith.constant 1 : i32
      %scan3A_145 = scf.for %scan3A_155 = %scan3A_141 to %scan3A_143 step %scan3A_144 iter_args(%scan3A_156 = %scan3A_140) -> (i32)  : i32 {
        %mul3A_157 = arith.constant 64 : i32
        %mul3A_158 = arith.muli %scan3A_155, %mul3A_157 : i32
        %broadcast_in_dim3A_159 = vector.broadcast %mul3A_158 : i32 to vector<16xi32>
        %get3A = arith.index_cast %scan3A_155 : i32 to index
        %get3A_160 = arith.index_cast %mul3A_139 : i32 to index
        %get3A_161 = tpu.vector_load %arg4[%get3A, %get3A_160] {strides = array<i32>} : memref<26x512xi32, #tpu.memory_space<vmem>>, vector<16xi32>,
        %add3A_162 = arith.addi %broadcast_in_dim3A_159, %get3A_161 : vector<16xi32>
        tpu.vector_store_idx %arg6[%iota3A, %add3A_162], %broadcast_in_dim3A_1 : memref<32x1664xi32, #tpu.memory_space<vmem>>[vector<16xi32>, vector<16xi32>], vector<16xi32>,
        %add3A_163 = arith.constant 16 : i32
        %add3A_164 = arith.addi %mul3A_139, %add3A_163 : i32
        %get3A_165 = arith.index_cast %scan3A_155 : i32 to index
        %get3A_166 = arith.index_cast %add3A_164 : i32 to index
        %get3A_167 = tpu.vector_load %arg4[%get3A_165, %get3A_166] {strides = array<i32>} : memref<26x512xi32, #tpu.memory_space<vmem>>, vector<16xi32>,
        %add3A_168 = arith.addi %broadcast_in_dim3A_159, %get3A_167 : vector<16xi32>
        tpu.vector_store_idx %arg6[%add3A_11, %add3A_168], %broadcast_in_dim3A_1 : memref<32x1664xi32, #tpu.memory_space<vmem>>[vector<16xi32>, vector<16xi32>], vector<16xi32>,
        %scan3A_169 = arith.constant 0 : i32
        scf.yield %scan3A_169 : i32
      }
      %scan3A_146 = arith.constant 26 : i32
      %mul3A_147 = arith.constant 32 : i32
      %mul3A_148 = arith.muli %add3A_82, %mul3A_147 : i32
      %add3A_149 = arith.addi %mul3A_13, %mul3A_148 : i32
      %dma_start3A_150 = arith.constant 0 : i32
      %dma_start3A_151 = tpu.memref_slice %arg3[%add3A_149, %dma_start3A_150] : memref<16384x1664xi32, #tpu.memory_space<hbm>> -> memref<32x1664xi32, #tpu.memory_space<hbm>>
      %dma_start3A_152 = arith.constant 0 : i32
      %dma_start3A_153 = tpu.memref_slice %arg3[%add3A_149, %dma_start3A_152] : memref<16384x1664xi32, #tpu.memory_space<hbm>> -> memref<32x1664xi32, #tpu.memory_space<hbm>>
      tpu.enqueue_dma source(%arg6 : memref<32x1664xi32, #tpu.memory_space<vmem>>) target(%dma_start3A_153 : memref<32x1664xi32, #tpu.memory_space<hbm>>) target_semaphore(%arg8 : memref<!tpu.dma_semaphore, #tpu.memory_space<semaphore_mem>>)
      %scan3A_154 = arith.constant 0 : i32
      scf.yield %scan3A_154 : i32
    }
    %scan3A_62 = arith.constant 7 : i32
    %add3A_63 = arith.constant 448 : i32
    %add3A_64 = arith.addi %mul3A_13, %add3A_63 : i32
    %dma_wait3A_65 = arith.constant 0 : i32
    %dma_wait3A_66 = tpu.memref_slice %arg3[%add3A_64, %dma_wait3A_65] : memref<16384x1664xi32, #tpu.memory_space<hbm>> -> memref<32x1664xi32, #tpu.memory_space<hbm>>
    %dma_wait3A_67 = arith.constant 0 : i32
    %dma_wait3A_68 = tpu.memref_slice %arg3[%add3A_64, %dma_wait3A_67] : memref<16384x1664xi32, #tpu.memory_space<hbm>> -> memref<32x1664xi32, #tpu.memory_space<hbm>>
    tpu.wait_dma2 semaphore(%arg7 : memref<!tpu.dma_semaphore, #tpu.memory_space<semaphore_mem>>) src(%arg5 : memref<32x1664xi32, #tpu.memory_space<vmem>>) dst(%dma_wait3A_68 : memref<32x1664xi32, #tpu.memory_space<hbm>>)
    %add3A_69 = arith.constant 480 : i32
    %add3A_70 = arith.addi %mul3A_13, %add3A_69 : i32
    %dma_wait3A_71 = arith.constant 0 : i32
    %dma_wait3A_72 = tpu.memref_slice %arg3[%add3A_70, %dma_wait3A_71] : memref<16384x1664xi32, #tpu.memory_space<hbm>> -> memref<32x1664xi32, #tpu.memory_space<hbm>>
    %dma_wait3A_73 = arith.constant 0 : i32
    %dma_wait3A_74 = tpu.memref_slice %arg3[%add3A_70, %dma_wait3A_73] : memref<16384x1664xi32, #tpu.memory_space<hbm>> -> memref<32x1664xi32, #tpu.memory_space<hbm>>
    tpu.wait_dma2 semaphore(%arg8 : memref<!tpu.dma_semaphore, #tpu.memory_space<semaphore_mem>>) src(%arg6 : memref<32x1664xi32, #tpu.memory_space<vmem>>) dst(%dma_wait3A_74 : memref<32x1664xi32, #tpu.memory_space<hbm>>)
    return
  }
}

</mosaic_0001>

<sc_bundles>
// kernel: _onehot.3.cloned.1.call-start
scs
__scs_entry_jumppad:
0x0: {  	(pc) =	sbr.rel $0x88, $3  }
0x1: {  	(tag) =	ssettag $0x0;
	lr =	simm.s32 $0x1  }
0x2: {  	[smem:$0x3FA0] =	sst lr;
	_ =	strace $0xD0000000  }
0x3: {  	_ = 	snop  }
0x4: {  	_ = 	snop  }
0x5: {  	_ = 	snop  }
0x6: {  	_ = 	snop  }
0x7: {  	_ = 	snop  }
__scs_overlays_trampoline_lowered:
0x8: {  	[smem:$0x3FAF] =	sst s0  }
0x9: {  	[smem:$0x3FB0] =	sst s1  }
0xa: {  	[smem:$0x3FB1] =	sst s2  }
0xb: {  	[smem:$0x3FB2] =	sst s3  }
0xc: {  	[smem:$0x3FB3] =	sst s4  }
0xd: {  	[smem:$0x3FB4] =	sst s5  }
0xe: {  	[smem:$0x3FB5] =	sst s6  }
0xf: {  	[smem:$0x3FB6] =	sst s7  }
0x10: {  	[smem:$0x3FB7] =	sst s8  }
0x11: {  	[smem:$0x3FB8] =	sst s9;
	s0 =	simm.s32 @!p0 $0x0  }
0x12: {  	s1 =	sld [smem:$0x3F9E];
	s0 =	simm.s32 @p0 $0x1  }
0x13: {  	[smem:$0x3FB9] =	sst s0;
	s0 =	simm.s32 @!p1 $0x0  }
0x14: {  	s2 =	sld [smem:$0x3F9D];
	s0 =	simm.s32 @p1 $0x1  }
0x15: {  	[smem:$0x3FBA] =	sst s0;
	s0 =	simm.s32 @!p2 $0x0  }
0x16: {  	s3 =	sld [smem:$0x3FDB];
	s0 =	simm.s32 @p2 $0x1  }
0x17: {  	s4 =	simm.s32 $0x1BF5;
	[smem:$0x3FBC] =	sst s0  }
0x18: {  	s0 =	sld [smem:$0x3F9F];
	_ =	swait.ge [sflag:s4], $0x0  }
0x19: {  	s7 =	sld [smem:$0x3FA0]  }
0x1a: {  	s8 =	sadd.s32 $0xFFFFE003, lr  }
0x1b: {  	s9 =	sadd.s32 $0xFFFFFEF7, lr;
	s5 =	simm.s32 $0xFFFFFFFF;
	p2 =	slt.u32 s8, $0xFFFFF086  }
0x1c: {  	p1 =	slt.u32 s9, $0xF7A;
	s5 =	simm.s32 @!p2 $0x0  }
0x1d: {  	s5 =	simm.s32 @p1 $0x1;
	p0 =	seq.s32 s7, s2  }
0x1e: {  	s7 =	smul.u32 @!p0 $0xF7A, s2;
	p2 =	seq.s32 @!p0 s5, $0x0  }
0x1f: {  	s9 =	smul.u32 $0xF7A, s1;
	s8 =	simm.s32 @!p0 $0x1BF5;
	p2 =	por !p2, p0  }
0x20: {  	[sflag:s8] =	ssyncset.s32 @!p0 $0xFFFFF086;
	s6 =	sadd.s32 @!p0 s3, s7;
	s7 =	simm.s32 @!p0 $0x108  }
0x21: {  	s3 =	sadd.s32 s3, s9;
	s6 =	sadd.s32 @!p0 $0x88, s6;
	s7 =	simm.s32 @p2 $0x1082  }
0x22: {  	[simem:s7], [sflag:s8] =	dma.local @!p0 [hbm:s6], $0xF7A  }
0x23: {  	s9 =	sor.u32 $0xD0000000, s2;
	s6 =	simm.s32 $0x108;
	_ =	swait.ge @!p0 [sflag:s8], $0x0  }
0x24: {  	s3 =	sadd.s32 $0x88, s3;
	s6 =	simm.s32 @!p1 $0x1082;
	[sflag:s4] =	ssyncset.s32 $0xFFFFF086  }
0x25: {  	[simem:s6], [sflag:s4] =	dma.local [hbm:s3], $0xF7A  }
0x26: {  	[smem:$0x3FA0] =	sst s1;
	(tag) =	ssettag s2;
	_ =	strace s9  }
0x27: {  	s1 =	sld [smem:$0x3FB0]  }
0x28: {  	s2 =	sld [smem:$0x3FB1]  }
0x29: {  	s4 =	sld [smem:$0x3FB3]  }
0x2a: {  	p0 =	seq.s32 s5, $0x0;
	s5 =	sld [smem:$0x3FB4]  }
0x2b: {  	s6 =	sld [smem:$0x3FB5]  }
0x2c: {  	s7 =	sld [smem:$0x3FB6]  }
0x2d: {  	s3 =	simm.s32 $0x108;
	s8 =	sld [smem:$0x3FB7]  }
0x2e: {  	s3 =	simm.s32 @!p0 $0x1082;
	s9 =	sld [smem:$0x3FB8]  }
0x2f: {  	lr =	sadd.s32 s0, s3;
	s0 =	sld [smem:$0x3FAF]  }
0x30: {  	s3 =	sld [smem:$0x3FB2]  }
0x31: {  	[smem:$0x3FBB] =	sst s10  }
0x32: {  	s10 =	sld [smem:$0x3FB9];
	_ =	sdelay $0x3  }
0x33: {  	p0 =	seq.s32 s10, $0x1;
	s10 =	sld [smem:$0x3FBB];
	_ =	sdelay $0x3  }
0x34: {  	[smem:$0x3FBB] =	sst s10  }
0x35: {  	s10 =	sld [smem:$0x3FBA];
	_ =	sdelay $0x3  }
0x36: {  	p1 =	seq.s32 s10, $0x1;
	s10 =	sld [smem:$0x3FBB];
	_ =	sdelay $0x3  }
0x37: {  	[smem:$0x3FBB] =	sst s10  }
0x38: {  	s10 =	sld [smem:$0x3FBC]  }
0x39: {  	_ = 	snop;
	(pc) =	sbr.ind lr, $3  }
0x3a: {  	_ = 	snop  }
0x3b: {  	_ = 	snop  }
0x3c: {  	p2 =	seq.s32 s10, $0x1;
	s10 =	sld [smem:$0x3FBB]  }
0x3d: {  	_ =	shalt  }
0x3e: {  	_ =	shalt  }
0x3f: {  	_ =	shalt  }
0x40: {  	_ =	shalt  }
0x41: {  	_ =	shalt  }
0x42: {  	_ =	shalt  }
0x43: {  	_ =	shalt  }
0x44: {  	_ =	shalt  }
0x45: {  	_ =	shalt  }
0x46: {  	_ =	shalt  }
0x47: {  	_ =	shalt  }
0x48: {  	_ =	shalt  }
0x49: {  	_ =	shalt  }
0x4a: {  	_ =	shalt  }
0x4b: {  	_ =	shalt  }
0x4c: {  	_ =	shalt  }
0x4d: {  	_ =	shalt  }
0x4e: {  	_ =	shalt  }
0x4f: {  	_ =	shalt  }
0x50: {  	_ =	shalt  }
0x51: {  	_ =	shalt  }
0x52: {  	_ =	shalt  }
0x53: {  	_ =	shalt  }
0x54: {  	_ =	shalt  }
0x55: {  	_ =	shalt  }
0x56: {  	_ =	shalt  }
0x57: {  	_ =	shalt  }
0x58: {  	_ =	shalt  }
0x59: {  	_ =	shalt  }
0x5a: {  	_ =	shalt  }
0x5b: {  	_ =	shalt  }
0x5c: {  	_ =	shalt  }
0x5d: {  	_ =	shalt  }
0x5e: {  	_ =	shalt  }
0x5f: {  	_ =	shalt  }
0x60: {  	_ =	shalt  }
0x61: {  	_ =	shalt  }
0x62: {  	_ =	shalt  }
0x63: {  	_ =	shalt  }
0x64: {  	_ =	shalt  }
0x65: {  	_ =	shalt  }
0x66: {  	_ =	shalt  }
0x67: {  	_ =	shalt  }
0x68: {  	_ =	shalt  }
0x69: {  	_ =	shalt  }
0x6a: {  	_ =	shalt  }
0x6b: {  	_ =	shalt  }
0x6c: {  	_ =	shalt  }
0x6d: {  	_ =	shalt  }
0x6e: {  	_ =	shalt  }
0x6f: {  	_ =	shalt  }
0x70: {  	_ =	shalt  }
0x71: {  	_ =	shalt  }
0x72: {  	_ =	shalt  }
0x73: {  	_ =	shalt  }
0x74: {  	_ =	shalt  }
0x75: {  	_ =	shalt  }
0x76: {  	_ =	shalt  }
0x77: {  	_ =	shalt  }
0x78: {  	_ =	shalt  }
0x79: {  	_ =	shalt  }
0x7a: {  	_ =	shalt  }
0x7b: {  	_ =	shalt  }
0x7c: {  	_ =	shalt  }
0x7d: {  	_ =	shalt  }
0x7e: {  	_ =	shalt  }
0x7f: {  	_ =	shalt  }
0x80: {  	_ =	shalt  }
0x81: {  	_ =	shalt  }
0x82: {  	_ =	shalt  }
0x83: {  	_ =	shalt  }
0x84: {  	_ =	shalt  }
0x85: {  	_ =	shalt  }
0x86: {  	_ =	shalt  }
0x87: {  	_ =	shalt  }
.Lfunc_end0:
.L_simem_size_0:
called_computation_lowered:
.L_overlay_start_0:
0x88: {  	s2 =	sld [smem:$0x3FD9]  }
0x89: {  	s3 =	sld [smem:$0x3FFE];
	_ =	sdelay $0x1  }
0x8a: {  	s1 =	srdreg.scid  }
0x8b: {  	s0 =	sand.u32 $0x1, s1  }
0x8c: {  	s18 =	sshll.u32 s0, $0xA;
	s2 =	sadd.s32 s3, s2  }
0x8d: {  	s2 =	sadd.s32 s2, s18  }
0x8e: {  	[smem:$0x3FC7] =	sst s2  }
0x8f: {  	_ = 	snop  }
0x90: {  	s2 =	sld [smem:$0x3FC9]  }
0x91: {  	s19 =	sld [smem:$0x3FD0];
	(tm) =	ssettm $0x1  }
0x92: {  	s4 =	sld [smem:$0x3FFB];
	_ =	sdelay $0x3  }
0x93: {  	_ =	strace s4  }
0x94: {  	s4 =	sld [smem:$0x3FFC];
	_ =	sdelay $0x3  }
0x95: {  	_ =	strace s4  }
0x96: {  	s4 =	sld [smem:$0x3FFD];
	_ =	sdelay $0x3  }
0x97: {  	_ =	strace s4  }
0x98: {  	_ =	strace $0x8FFFFFFF  }
0x99: {  	s20 =	sld [smem:$0x3FDB];
	_ =	sdelay $0x1  }
0x9a: {  	s5 =	simm.s32 $_scs_section_size  }
0x9b: {  	s6 =	simm.s32 $_size__tile_overlayer_lowered;
	s7 =	simm.s32 $_tile_overlayer_lowered  }
0x9c: {  	s23 =	simm.s32 $0x1BFF;
	s22 =	sshll.u32 s7, $0x1;
	s4 =	sadd.s32 s5, s20  }
0x9d: {  	s8 =	simm.s32 $0x0;
	s21 =	sshll.u32 s6, $0x1;
	s6 =	sadd.s32 s22, s4  }
0x9e: {  	[timem:s8], [sflag:s23] =	dma.local [hbm:s6], s21  }
0x9f: {  	_ =	swait.ge [sflag:s23], s21  }
0xa0: {  	s5 =	ssub.s32 $0x0, s21;
	[sflag:s23] =	ssyncset.done $0x0  }
0xa1: {  	[sflag:s23] =	ssyncadd.s32 s5;
	_ =	sdelay $0x1  }
0xa2: {  	s24 =	simm.s32 $0x1B8B  }
0xa3: {  	_ =	swait.ge [sflag:s24], $0x1  }
0xa4: {  	[sflag:s24] =	ssyncset.done $0x0  }
0xa5: {  	s25 =	simm.s32 $0x1B8E;
	[sflag:s24] =	ssyncadd.s32 $0xFFFFFFFF  }
0xa6: {  	s26 =	simm.s32 $execute0_lowered;
	[smem:$0x3FD2] =	sst s25  }
0xa7: {  	s5 =	sshll.u32 s26, $0x1;
	_ =	strace $0x80000046;
	[dreg:$0x1] =	wrdreg $0xFFFFFFFF  }
0xa8: {  	s28 =	simm.s32 $_size_execute0_lowered;
	s4 =	sadd.s32 s4, s5;
	[dreg:$0x0] =	wrdreg $0x0  }
0xa9: {  	s5 =	sshll.u32 s28, $0x1;
	[dreg:$0x2] =	wrdreg s4  }
0xaa: {  	[dreg:$0x3] =	wrdreg s5  }
0xab: {  	[dreg:$0x4] =	wrdreg $0xC0  }
0xac: {  	_ =	task [dreg:s8], $0x5FFFF  }
0xad: {  	[dreg:$0x1] =	wrdreg $0xFFFFFFFF  }
0xae: {  	[dreg:$0x0] =	wrdreg $0x60  }
0xaf: {  	[dreg:$0x2] =	wrdreg s2  }
0xb0: {  	[dreg:$0x3] =	wrdreg s19  }
0xb1: {  	[dreg:$0x4] =	wrdreg $0x9  }
0xb2: {  	_ =	task.clear_ibuf [dreg:s8], $0x5FFFF;
	_ =	strace $0x90000046  }
0xb3: {  	s29 =	simm.s32 $0x9;
	_ =	strace $0x80000048  }
0xb4: {  	_ =	swait.ge [sflag:s29], $0x1  }
0xb5: {  	[sflag:s29] =	ssyncadd.s32 $0xFFFFFFFF  }
0xb6: {  	_ =	strace $0x90000048  }
0xb7: {  	_ =	sfence  }
0xb8: {  	s30 =	sld [smem:$0x0];
	_ =	sdelay $0x2  }
0xb9: {  	s31 =	sshll.u32 s1, $0xD;
	s1 =	sshrl.u32 s1, $0x2  }
0xba: {  	s3 =	sand.u32 $0x4000, s31;
	s1 =	sadd.s32 s1, s30  }
0xbb: {  	s0 =	sor.u32 s3, s0;
	s1 =	sshll.u32 s1, $0x11  }
0xbc: {  	s0 =	sor.u32 s1, s0  }
0xbd: {  	s0 =	sadd.s32 $0x8F2B, s0  }
0xbe: {  	[sflag:s0] =	ssyncadd.remote.s32 $0x1  }
0xbf: {  	_ =	sfence.sel $0xFFFF  }
0xc0: {  	[dreg:$0x0] =	wrdreg $0xFFFFFFFF;
	(pc) =	sbr.abs _section_cstart, $3  }
0xc1: {  	[dreg:$0x1] =	wrdreg $0xFFFFFFFF  }
0xc2: {  	_ =	task.clear_ibuf [dreg:s8], $0x2FFFF;
	_ =	strace $0x9FFFFFFF  }
0xc3: {  	(tm) =	ssettm $0x7FFFFFFF  }
tec
execute0_lowered:
.L_overlay_start_1:
0x0: {  	(tag) =	ssettag $0x1  }
0x1: {  	v0 =	vimm.s32 $0x0  }
0x2: {  	v1 =	vimm.s32 $0x3780;
	vm0 =	vcmask $0x300;
	v2 =	vimm.s32 $0x9F80  }
0x3: {  	vm1 =	vcmask $0x704;
	v1 =	vsel vm0, $0x0, v1;
	v2 =	vsel vm0, $0x6800, v2  }
0x4: {  	vm15 =	vcmask $0xB08;
	v1 =	vsel vm1, $0x80, v1;
	v2 =	vsel vm1, $0x6880, v2  }
0x5: {  	vm4 =	vcmask $0xF0C;
	v1 =	vsel vm15, $0x100, v1;
	v2 =	vsel vm15, $0x6900, v2  }
0x6: {  	vm5 =	vcmask $0x1310;
	v1 =	vsel vm4, $0x180, v1;
	v2 =	vsel vm4, $0x6980, v2  }
0x7: {  	vm6 =	vcmask $0x1714;
	v1 =	vsel vm5, $0x200, v1;
	v2 =	vsel vm5, $0x6A00, v2  }
0x8: {  	s1 =	srdreg.scid;
	vm7 =	vcmask $0x1B18;
	v1 =	vsel vm6, $0x280, v1;
	v2 =	vsel vm6, $0x6A80, v2  }
0x9: {  	s0 =	stileid.u32;
	s6 =	rddreg [dreg:$0x0];
	vm8 =	vcmask $0x1F1C;
	s4 =	simm.s32 $0x0;
	v1 =	vsel vm7, $0x300, v1;
	v2 =	vsel vm7, $0x6B00, v2  }
0xa: {  	vm9 =	vcmask $0x2320;
	s9 =	simm.s32 $0x1000;
	s10 =	simm.s32 $0x20000;
	s2 =	sand.u32 $0x1, s1;
	v1 =	vsel vm8, $0x380, v1;
	v2 =	vsel vm8, $0x6B80, v2  }
0xb: {  	vm10 =	vcmask $0x2724;
	s11 =	simm.s32 $0x3;
	s31 =	sshll.u32 s0, $0xA;
	s3 =	sshll.u32 s2, $0x9;
	v1 =	vsel vm9, $0x3400, v1;
	v2 =	vsel vm9, $0x9C00, v2  }
0xc: {  	vm11 =	vcmask $0x2B28;
	s12 =	simm.s32 $0x4000;
	s13 =	simm.s32 $0x11000;
	s1 =	sor.u32 s3, s31;
	v1 =	vsel vm10, $0x3480, v1;
	v2 =	vsel vm10, $0x9C80, v2  }
0xd: {  	vm12 =	vcmask $0x2F2C;
	s14 =	simm.s32 $0x1;
	s15 =	simm.s32 $0x2;
	s5 =	sshrl.u32 s1, $0x3;
	v1 =	vsel vm11, $0x3500, v1;
	v2 =	vsel vm11, $0x9D00, v2  }
0xe: {  	vm13 =	vcmask $0x3330;
	[smem:$0x7FF] =	sst s4;
	s2 =	ssub.s32 $0x2, s2;
	s5 =	smul.u32 $0x680, s5;
	v1 =	vsel vm12, $0x3580, v1;
	v2 =	vsel vm12, $0x9D80, v2  }
0xf: {  	vm14 =	vcmask $0x3734;
	s16 =	simm.s32 $0x0;
	s3 =	rddreg [dreg:$0x1];
	s7 =	sshrl.u32 s2, $0x1;
	v1 =	vsel vm13, $0x3600, v1;
	v2 =	vsel vm13, $0x9E00, v2  }
0x10: {  	_ =	strace $0x80000047;
	vm15 =	vcmask $0x3B38;
	s2 =	ssub.s32 s2, s7;
	s5 =	sadd.s32 s3, s5;
	v1 =	vsel vm14, $0x3680, v1;
	v3 =	vsel vm14, $0x9E80, v2  }
0x11: {  	s6 =	sadd.s32 s6, s1;
	s8 =	smax.u32 s2, $0x1;
	s7 =	sadd.s32 $0x1A00, s5;
	v2 =	vimm.s32 $0x1;
	v1 =	vsel vm15, $0x3700, v1;
	v3 =	vsel vm15, $0x9F00, v3  }
.LBB2_1:
0x12: {  	s2 =	simm.s32 $0x0  }
0x13: {  	s2 =	smul.u32 $0xD000, s2  }
0x14: {  	[tilespmem:s4], [sflag:$0x3] =	stream.strided.gather [hbm4b:s6+s9], $0x4000, s10, s9, $0x38;
	[tilespmem:$0x1E000] =	vst v63  }
0x15: {  	s17 =	sand.u32 $0x380, s4;
	s2 =	sshra.s32 s2, $0x2  }
0x16: {  	s17 =	sor.u32 s17, s2  }
0x17: {  	[tilespmem:s17+$0x7070] =	vst v0  }
0x18: {  	[tilespmem:s17+$0x4000] =	vst v0  }
0x19: {  	[tilespmem:s17+$0x4010] =	vst v0  }
0x1a: {  	[tilespmem:s17+$0x4020] =	vst v0  }
0x1b: {  	[tilespmem:s17+$0x4030] =	vst v0  }
0x1c: {  	[tilespmem:s17+$0x4040] =	vst v0  }
0x1d: {  	[tilespmem:s17+$0x4050] =	vst v0  }
0x1e: {  	[tilespmem:s17+$0x4060] =	vst v0  }
0x1f: {  	[tilespmem:s17+$0x4070] =	vst v0  }
0x20: {  	[tilespmem:s17+$0x4400] =	vst v0  }
0x21: {  	[tilespmem:s17+$0x4410] =	vst v0  }
0x22: {  	[tilespmem:s17+$0x4420] =	vst v0  }
0x23: {  	[tilespmem:s17+$0x4430] =	vst v0  }
0x24: {  	[tilespmem:s17+$0x4440] =	vst v0  }
0x25: {  	[tilespmem:s17+$0x4450] =	vst v0  }
0x26: {  	[tilespmem:s17+$0x4460] =	vst v0  }
0x27: {  	[tilespmem:s17+$0x4470] =	vst v0  }
0x28: {  	[tilespmem:s17+$0x4800] =	vst v0  }
0x29: {  	[tilespmem:s17+$0x4810] =	vst v0  }
0x2a: {  	[tilespmem:s17+$0x4820] =	vst v0  }
0x2b: {  	[tilespmem:s17+$0x4830] =	vst v0  }
0x2c: {  	[tilespmem:s17+$0x4840] =	vst v0  }
0x2d: {  	[tilespmem:s17+$0x4850] =	vst v0  }
0x2e: {  	[tilespmem:s17+$0x4860] =	vst v0  }
0x2f: {  	[tilespmem:s17+$0x4870] =	vst v0  }
0x30: {  	[tilespmem:s17+$0x4C00] =	vst v0  }
0x31: {  	[tilespmem:s17+$0x4C10] =	vst v0  }
0x32: {  	[tilespmem:s17+$0x4C20] =	vst v0  }
0x33: {  	[tilespmem:s17+$0x4C30] =	vst v0  }
0x34: {  	[tilespmem:s17+$0x4C40] =	vst v0  }
0x35: {  	[tilespmem:s17+$0x4C50] =	vst v0  }
0x36: {  	[tilespmem:s17+$0x4C60] =	vst v0  }
0x37: {  	[tilespmem:s17+$0x4C70] =	vst v0  }
0x38: {  	[tilespmem:s17+$0x5000] =	vst v0  }
0x39: {  	[tilespmem:s17+$0x5010] =	vst v0  }
0x3a: {  	[tilespmem:s17+$0x5020] =	vst v0  }
0x3b: {  	[tilespmem:s17+$0x5030] =	vst v0  }
0x3c: {  	[tilespmem:s17+$0x5040] =	vst v0  }
0x3d: {  	[tilespmem:s17+$0x5050] =	vst v0  }
0x3e: {  	[tilespmem:s17+$0x5060] =	vst v0  }
0x3f: {  	[tilespmem:s17+$0x5070] =	vst v0  }
0x40: {  	[tilespmem:s17+$0x5400] =	vst v0  }
0x41: {  	[tilespmem:s17+$0x5410] =	vst v0  }
0x42: {  	[tilespmem:s17+$0x5420] =	vst v0  }
0x43: {  	[tilespmem:s17+$0x5430] =	vst v0  }
0x44: {  	[tilespmem:s17+$0x5440] =	vst v0  }
0x45: {  	[tilespmem:s17+$0x5450] =	vst v0  }
0x46: {  	[tilespmem:s17+$0x5460] =	vst v0  }
0x47: {  	[tilespmem:s17+$0x5470] =	vst v0  }
0x48: {  	[tilespmem:s17+$0x5800] =	vst v0  }
0x49: {  	[tilespmem:s17+$0x5810] =	vst v0  }
0x4a: {  	[tilespmem:s17+$0x5820] =	vst v0  }
0x4b: {  	[tilespmem:s17+$0x5830] =	vst v0  }
0x4c: {  	[tilespmem:s17+$0x5840] =	vst v0  }
0x4d: {  	[tilespmem:s17+$0x5850] =	vst v0  }
0x4e: {  	[tilespmem:s17+$0x5860] =	vst v0  }
0x4f: {  	[tilespmem:s17+$0x5870] =	vst v0  }
0x50: {  	[tilespmem:s17+$0x5C00] =	vst v0  }
0x51: {  	[tilespmem:s17+$0x5C10] =	vst v0  }
0x52: {  	[tilespmem:s17+$0x5C20] =	vst v0  }
0x53: {  	[tilespmem:s17+$0x5C30] =	vst v0  }
0x54: {  	[tilespmem:s17+$0x5C40] =	vst v0  }
0x55: {  	[tilespmem:s17+$0x5C50] =	vst v0  }
0x56: {  	[tilespmem:s17+$0x5C60] =	vst v0  }
0x57: {  	[tilespmem:s17+$0x5C70] =	vst v0  }
0x58: {  	[tilespmem:s17+$0x6000] =	vst v0  }
0x59: {  	[tilespmem:s17+$0x6010] =	vst v0  }
0x5a: {  	[tilespmem:s17+$0x6020] =	vst v0  }
0x5b: {  	[tilespmem:s17+$0x6030] =	vst v0  }
0x5c: {  	[tilespmem:s17+$0x6040] =	vst v0  }
0x5d: {  	[tilespmem:s17+$0x6050] =	vst v0  }
0x5e: {  	[tilespmem:s17+$0x6060] =	vst v0  }
0x5f: {  	[tilespmem:s17+$0x6070] =	vst v0  }
0x60: {  	[tilespmem:s17+$0x6400] =	vst v0  }
0x61: {  	[tilespmem:s17+$0x6410] =	vst v0  }
0x62: {  	[tilespmem:s17+$0x6420] =	vst v0  }
0x63: {  	[tilespmem:s17+$0x6430] =	vst v0  }
0x64: {  	[tilespmem:s17+$0x6440] =	vst v0  }
0x65: {  	[tilespmem:s17+$0x6450] =	vst v0  }
0x66: {  	[tilespmem:s17+$0x6460] =	vst v0  }
0x67: {  	[tilespmem:s17+$0x6470] =	vst v0  }
0x68: {  	[tilespmem:s17+$0x6800] =	vst v0  }
0x69: {  	[tilespmem:s17+$0x6810] =	vst v0  }
0x6a: {  	[tilespmem:s17+$0x6820] =	vst v0  }
0x6b: {  	[tilespmem:s17+$0x6830] =	vst v0  }
0x6c: {  	[tilespmem:s17+$0x6840] =	vst v0  }
0x6d: {  	[tilespmem:s17+$0x6850] =	vst v0  }
0x6e: {  	[tilespmem:s17+$0x6860] =	vst v0  }
0x6f: {  	[tilespmem:s17+$0x6870] =	vst v0  }
0x70: {  	[tilespmem:s17+$0x6C00] =	vst v0  }
0x71: {  	[tilespmem:s17+$0x6C10] =	vst v0  }
0x72: {  	[tilespmem:s17+$0x6C20] =	vst v0  }
0x73: {  	[tilespmem:s17+$0x6C30] =	vst v0  }
0x74: {  	[tilespmem:s17+$0x6C40] =	vst v0  }
0x75: {  	[tilespmem:s17+$0x6C50] =	vst v0  }
0x76: {  	[tilespmem:s17+$0x6C60] =	vst v0  }
0x77: {  	[tilespmem:s17+$0x6C70] =	vst v0  }
0x78: {  	[tilespmem:s17+$0x7000] =	vst v0  }
0x79: {  	[tilespmem:s17+$0x7010] =	vst v0  }
0x7a: {  	s20 =	simm.s32 $0x0;
	s19 =	simm.s32 $0x2;
	s18 =	simm.s32 $0x0;
	[tilespmem:s17+$0x7020] =	vst v0  }
.LBB2_2:
0x7b: {  	p0 =	sne.s32 s19, $0x1F;
	s2 =	smul.u32 $0xD000, s20;
	[tilespmem:s17+$0x7030] =	vst v0  }
0x7c: {  	s18 =	sadd.s32 $0x80, s18;
	[tilespmem:s17+$0x7040] =	vst v0  }
0x7d: {  	s20 =	sand.u32 $0x380, s18;
	s2 =	sshra.s32 s2, $0x2;
	[tilespmem:s17+$0x7050] =	vst v0  }
0x7e: {  	[tilespmem:s17+$0x7060] =	vst v0;
	s17 =	sor.u32 s20, s2  }
0x7f: {  	[tilespmem:s17+$0x7070] =	vst v0  }
0x80: {  	[tilespmem:s17+$0x4000] =	vst v0  }
0x81: {  	[tilespmem:s17+$0x4010] =	vst v0  }
0x82: {  	[tilespmem:s17+$0x4020] =	vst v0  }
0x83: {  	[tilespmem:s17+$0x4030] =	vst v0  }
0x84: {  	[tilespmem:s17+$0x4040] =	vst v0  }
0x85: {  	[tilespmem:s17+$0x4050] =	vst v0  }
0x86: {  	[tilespmem:s17+$0x4060] =	vst v0  }
0x87: {  	[tilespmem:s17+$0x4070] =	vst v0  }
0x88: {  	[tilespmem:s17+$0x4400] =	vst v0  }
0x89: {  	[tilespmem:s17+$0x4410] =	vst v0  }
0x8a: {  	[tilespmem:s17+$0x4420] =	vst v0  }
0x8b: {  	[tilespmem:s17+$0x4430] =	vst v0  }
0x8c: {  	[tilespmem:s17+$0x4440] =	vst v0  }
0x8d: {  	[tilespmem:s17+$0x4450] =	vst v0  }
0x8e: {  	[tilespmem:s17+$0x4460] =	vst v0  }
0x8f: {  	[tilespmem:s17+$0x4470] =	vst v0  }
0x90: {  	[tilespmem:s17+$0x4800] =	vst v0  }
0x91: {  	[tilespmem:s17+$0x4810] =	vst v0  }
0x92: {  	[tilespmem:s17+$0x4820] =	vst v0  }
0x93: {  	[tilespmem:s17+$0x4830] =	vst v0  }
0x94: {  	[tilespmem:s17+$0x4840] =	vst v0  }
0x95: {  	[tilespmem:s17+$0x4850] =	vst v0  }
0x96: {  	[tilespmem:s17+$0x4860] =	vst v0  }
0x97: {  	[tilespmem:s17+$0x4870] =	vst v0  }
0x98: {  	[tilespmem:s17+$0x4C00] =	vst v0  }
0x99: {  	[tilespmem:s17+$0x4C10] =	vst v0  }
0x9a: {  	[tilespmem:s17+$0x4C20] =	vst v0  }
0x9b: {  	[tilespmem:s17+$0x4C30] =	vst v0  }
0x9c: {  	[tilespmem:s17+$0x4C40] =	vst v0  }
0x9d: {  	[tilespmem:s17+$0x4C50] =	vst v0  }
0x9e: {  	[tilespmem:s17+$0x4C60] =	vst v0  }
0x9f: {  	[tilespmem:s17+$0x4C70] =	vst v0  }
0xa0: {  	[tilespmem:s17+$0x5000] =	vst v0  }
0xa1: {  	[tilespmem:s17+$0x5010] =	vst v0  }
0xa2: {  	[tilespmem:s17+$0x5020] =	vst v0  }
0xa3: {  	[tilespmem:s17+$0x5030] =	vst v0  }
0xa4: {  	[tilespmem:s17+$0x5040] =	vst v0  }
0xa5: {  	[tilespmem:s17+$0x5050] =	vst v0  }
0xa6: {  	[tilespmem:s17+$0x5060] =	vst v0  }
0xa7: {  	[tilespmem:s17+$0x5070] =	vst v0  }
0xa8: {  	[tilespmem:s17+$0x5400] =	vst v0  }
0xa9: {  	[tilespmem:s17+$0x5410] =	vst v0  }
0xaa: {  	[tilespmem:s17+$0x5420] =	vst v0  }
0xab: {  	[tilespmem:s17+$0x5430] =	vst v0  }
0xac: {  	[tilespmem:s17+$0x5440] =	vst v0  }
0xad: {  	[tilespmem:s17+$0x5450] =	vst v0  }
0xae: {  	[tilespmem:s17+$0x5460] =	vst v0  }
0xaf: {  	[tilespmem:s17+$0x5470] =	vst v0  }
0xb0: {  	[tilespmem:s17+$0x5800] =	vst v0  }
0xb1: {  	[tilespmem:s17+$0x5810] =	vst v0  }
0xb2: {  	[tilespmem:s17+$0x5820] =	vst v0  }
0xb3: {  	[tilespmem:s17+$0x5830] =	vst v0  }
0xb4: {  	[tilespmem:s17+$0x5840] =	vst v0  }
0xb5: {  	[tilespmem:s17+$0x5850] =	vst v0  }
0xb6: {  	[tilespmem:s17+$0x5860] =	vst v0  }
0xb7: {  	[tilespmem:s17+$0x5870] =	vst v0  }
0xb8: {  	[tilespmem:s17+$0x5C00] =	vst v0  }
0xb9: {  	[tilespmem:s17+$0x5C10] =	vst v0  }
0xba: {  	[tilespmem:s17+$0x5C20] =	vst v0  }
0xbb: {  	[tilespmem:s17+$0x5C30] =	vst v0  }
0xbc: {  	[tilespmem:s17+$0x5C40] =	vst v0  }
0xbd: {  	[tilespmem:s17+$0x5C50] =	vst v0  }
0xbe: {  	[tilespmem:s17+$0x5C60] =	vst v0  }
0xbf: {  	[tilespmem:s17+$0x5C70] =	vst v0  }
0xc0: {  	[tilespmem:s17+$0x6000] =	vst v0  }
0xc1: {  	[tilespmem:s17+$0x6010] =	vst v0  }
0xc2: {  	[tilespmem:s17+$0x6020] =	vst v0  }
0xc3: {  	[tilespmem:s17+$0x6030] =	vst v0  }
0xc4: {  	[tilespmem:s17+$0x6040] =	vst v0  }
0xc5: {  	[tilespmem:s17+$0x6050] =	vst v0  }
0xc6: {  	[tilespmem:s17+$0x6060] =	vst v0  }
0xc7: {  	[tilespmem:s17+$0x6070] =	vst v0  }
0xc8: {  	[tilespmem:s17+$0x6400] =	vst v0  }
0xc9: {  	[tilespmem:s17+$0x6410] =	vst v0  }
0xca: {  	[tilespmem:s17+$0x6420] =	vst v0  }
0xcb: {  	[tilespmem:s17+$0x6430] =	vst v0  }
0xcc: {  	[tilespmem:s17+$0x6440] =	vst v0  }
0xcd: {  	[tilespmem:s17+$0x6450] =	vst v0  }
0xce: {  	[tilespmem:s17+$0x6460] =	vst v0  }
0xcf: {  	[tilespmem:s17+$0x6470] =	vst v0  }
0xd0: {  	[tilespmem:s17+$0x6800] =	vst v0  }
0xd1: {  	[tilespmem:s17+$0x6810] =	vst v0  }
0xd2: {  	[tilespmem:s17+$0x6820] =	vst v0  }
0xd3: {  	[tilespmem:s17+$0x6830] =	vst v0  }
0xd4: {  	[tilespmem:s17+$0x6840] =	vst v0  }
0xd5: {  	[tilespmem:s17+$0x6850] =	vst v0  }
0xd6: {  	[tilespmem:s17+$0x6860] =	vst v0  }
0xd7: {  	[tilespmem:s17+$0x6870] =	vst v0  }
0xd8: {  	[tilespmem:s17+$0x6C00] =	vst v0  }
0xd9: {  	[tilespmem:s17+$0x6C10] =	vst v0  }
0xda: {  	[tilespmem:s17+$0x6C20] =	vst v0  }
0xdb: {  	[tilespmem:s17+$0x6C30] =	vst v0  }
0xdc: {  	[tilespmem:s17+$0x6C40] =	vst v0  }
0xdd: {  	[tilespmem:s17+$0x6C50] =	vst v0  }
.Ltmp0:
0xde: {  	[tilespmem:s17+$0x6C60] =	vst v0;
	(pc) =	sbr.rel @p0 .LBB2_2-.Ltmp0, $4  }
0xdf: {  	[tilespmem:s17+$0x6C70] =	vst v0  }
0xe0: {  	[tilespmem:s17+$0x7000] =	vst v0  }
0xe1: {  	[tilespmem:s17+$0x7010] =	vst v0  }
0xe2: {  	s20 =	sshrl.u32 s19, $0x3;
	s19 =	sadd.s32 $0x1, s19;
	[tilespmem:s17+$0x7020] =	vst v0  }
0xe3: {  	s2 =	smul.u32 $0xD000, s20;
	[tilespmem:s17+$0x7030] =	vst v0  }
0xe4: {  	[tilespmem:s17+$0x7040] =	vst v0;
	s18 =	sadd.s32 $0x80, s18  }
0xe5: {  	[tilespmem:s17+$0x7050] =	vst v0;
	s18 =	sand.u32 $0x380, s18;
	s2 =	sshra.s32 s2, $0x2  }
0xe6: {  	[tilespmem:s17+$0x7060] =	vst v0;
	s18 =	sor.u32 s18, s2  }
0xe7: {  	[tilespmem:s18+$0x7070] =	vst v0  }
0xe8: {  	[tilespmem:s18+$0x4000] =	vst v0  }
0xe9: {  	[tilespmem:s18+$0x4010] =	vst v0  }
0xea: {  	[tilespmem:s18+$0x4020] =	vst v0  }
0xeb: {  	[tilespmem:s18+$0x4030] =	vst v0  }
0xec: {  	[tilespmem:s18+$0x4040] =	vst v0  }
0xed: {  	[tilespmem:s18+$0x4050] =	vst v0  }
0xee: {  	[tilespmem:s18+$0x4060] =	vst v0  }
0xef: {  	[tilespmem:s18+$0x4070] =	vst v0  }
0xf0: {  	[tilespmem:s18+$0x4400] =	vst v0  }
0xf1: {  	[tilespmem:s18+$0x4410] =	vst v0  }
0xf2: {  	[tilespmem:s18+$0x4420] =	vst v0  }
0xf3: {  	[tilespmem:s18+$0x4430] =	vst v0  }
0xf4: {  	[tilespmem:s18+$0x4440] =	vst v0  }
0xf5: {  	[tilespmem:s18+$0x4450] =	vst v0  }
0xf6: {  	[tilespmem:s18+$0x4460] =	vst v0  }
0xf7: {  	[tilespmem:s18+$0x4470] =	vst v0  }
0xf8: {  	[tilespmem:s18+$0x4800] =	vst v0  }
0xf9: {  	[tilespmem:s18+$0x4810] =	vst v0  }
0xfa: {  	[tilespmem:s18+$0x4820] =	vst v0  }
0xfb: {  	[tilespmem:s18+$0x4830] =	vst v0  }
0xfc: {  	[tilespmem:s18+$0x4840] =	vst v0  }
0xfd: {  	[tilespmem:s18+$0x4850] =	vst v0  }
0xfe: {  	[tilespmem:s18+$0x4860] =	vst v0  }
0xff: {  	[tilespmem:s18+$0x4870] =	vst v0  }
0x100: {  	[tilespmem:s18+$0x4C00] =	vst v0  }
0x101: {  	[tilespmem:s18+$0x4C10] =	vst v0  }
0x102: {  	[tilespmem:s18+$0x4C20] =	vst v0  }
0x103: {  	[tilespmem:s18+$0x4C30] =	vst v0  }
0x104: {  	[tilespmem:s18+$0x4C40] =	vst v0  }
0x105: {  	[tilespmem:s18+$0x4C50] =	vst v0  }
0x106: {  	[tilespmem:s18+$0x4C60] =	vst v0  }
0x107: {  	[tilespmem:s18+$0x4C70] =	vst v0  }
0x108: {  	[tilespmem:s18+$0x5000] =	vst v0  }
0x109: {  	[tilespmem:s18+$0x5010] =	vst v0  }
0x10a: {  	[tilespmem:s18+$0x5020] =	vst v0  }
0x10b: {  	[tilespmem:s18+$0x5030] =	vst v0  }
0x10c: {  	[tilespmem:s18+$0x5040] =	vst v0  }
0x10d: {  	[tilespmem:s18+$0x5050] =	vst v0  }
0x10e: {  	[tilespmem:s18+$0x5060] =	vst v0  }
0x10f: {  	[tilespmem:s18+$0x5070] =	vst v0  }
0x110: {  	[tilespmem:s18+$0x5400] =	vst v0  }
0x111: {  	[tilespmem:s18+$0x5410] =	vst v0  }
0x112: {  	[tilespmem:s18+$0x5420] =	vst v0  }
0x113: {  	[tilespmem:s18+$0x5430] =	vst v0  }
0x114: {  	[tilespmem:s18+$0x5440] =	vst v0  }
0x115: {  	[tilespmem:s18+$0x5450] =	vst v0  }
0x116: {  	[tilespmem:s18+$0x5460] =	vst v0  }
0x117: {  	[tilespmem:s18+$0x5470] =	vst v0  }
0x118: {  	[tilespmem:s18+$0x5800] =	vst v0  }
0x119: {  	[tilespmem:s18+$0x5810] =	vst v0  }
0x11a: {  	[tilespmem:s18+$0x5820] =	vst v0  }
0x11b: {  	[tilespmem:s18+$0x5830] =	vst v0  }
0x11c: {  	[tilespmem:s18+$0x5840] =	vst v0  }
0x11d: {  	[tilespmem:s18+$0x5850] =	vst v0  }
0x11e: {  	[tilespmem:s18+$0x5860] =	vst v0  }
0x11f: {  	[tilespmem:s18+$0x5870] =	vst v0  }
0x120: {  	[tilespmem:s18+$0x5C00] =	vst v0  }
0x121: {  	[tilespmem:s18+$0x5C10] =	vst v0  }
0x122: {  	[tilespmem:s18+$0x5C20] =	vst v0  }
0x123: {  	[tilespmem:s18+$0x5C30] =	vst v0  }
0x124: {  	[tilespmem:s18+$0x5C40] =	vst v0  }
0x125: {  	[tilespmem:s18+$0x5C50] =	vst v0  }
0x126: {  	[tilespmem:s18+$0x5C60] =	vst v0  }
0x127: {  	[tilespmem:s18+$0x5C70] =	vst v0  }
0x128: {  	[tilespmem:s18+$0x6000] =	vst v0  }
0x129: {  	[tilespmem:s18+$0x6010] =	vst v0  }
0x12a: {  	[tilespmem:s18+$0x6020] =	vst v0  }
0x12b: {  	[tilespmem:s18+$0x6030] =	vst v0  }
0x12c: {  	[tilespmem:s18+$0x6040] =	vst v0  }
0x12d: {  	[tilespmem:s18+$0x6050] =	vst v0  }
0x12e: {  	[tilespmem:s18+$0x6060] =	vst v0  }
0x12f: {  	[tilespmem:s18+$0x6070] =	vst v0  }
0x130: {  	[tilespmem:s18+$0x6400] =	vst v0  }
0x131: {  	[tilespmem:s18+$0x6410] =	vst v0  }
0x132: {  	[tilespmem:s18+$0x6420] =	vst v0  }
0x133: {  	[tilespmem:s18+$0x6430] =	vst v0  }
0x134: {  	[tilespmem:s18+$0x6440] =	vst v0  }
0x135: {  	[tilespmem:s18+$0x6450] =	vst v0  }
0x136: {  	[tilespmem:s18+$0x6460] =	vst v0  }
0x137: {  	[tilespmem:s18+$0x6470] =	vst v0  }
0x138: {  	[tilespmem:s18+$0x6800] =	vst v0  }
0x139: {  	[tilespmem:s18+$0x6810] =	vst v0  }
0x13a: {  	[tilespmem:s18+$0x6820] =	vst v0  }
0x13b: {  	[tilespmem:s18+$0x6830] =	vst v0  }
0x13c: {  	[tilespmem:s18+$0x6840] =	vst v0  }
0x13d: {  	[tilespmem:s18+$0x6850] =	vst v0  }
0x13e: {  	[tilespmem:s18+$0x6860] =	vst v0  }
0x13f: {  	[tilespmem:s18+$0x6870] =	vst v0  }
0x140: {  	[tilespmem:s18+$0x6C00] =	vst v0  }
0x141: {  	[tilespmem:s18+$0x6C10] =	vst v0  }
0x142: {  	[tilespmem:s18+$0x6C20] =	vst v0  }
0x143: {  	[tilespmem:s18+$0x6C30] =	vst v0  }
0x144: {  	[tilespmem:s18+$0x6C40] =	vst v0  }
0x145: {  	[tilespmem:s18+$0x6C50] =	vst v0  }
0x146: {  	[tilespmem:s18+$0x6C60] =	vst v0  }
0x147: {  	[tilespmem:s18+$0x6C70] =	vst v0  }
0x148: {  	[tilespmem:s18+$0x7000] =	vst v0  }
0x149: {  	[tilespmem:s18+$0x7010] =	vst v0  }
0x14a: {  	[tilespmem:s18+$0x7020] =	vst v0  }
0x14b: {  	[tilespmem:s18+$0x7030] =	vst v0  }
0x14c: {  	[tilespmem:s18+$0x7040] =	vst v0  }
0x14d: {  	[tilespmem:s18+$0x7050] =	vst v0  }
0x14e: {  	[tilespmem:s18+$0x7060] =	vst v0  }
0x14f: {  	_ =	swait.ge [sflag:s11], $0x4000  }
0x150: {  	s17 =	simm.s32 $0x0;
	[sflag:s11] =	ssyncset.done $0x0  }
0x151: {  	s19 =	simm.s32 $0x0;
	s18 =	simm.s32 $0x0;
	[sflag:s11] =	ssyncadd.s32 $0xFFFFC000  }
.LBB2_4:
0x152: {  	s2 =	sand.u32 $0x3000, s17;
	s20 =	sand.u32 $0x380, s18  }
0x153: {  	s2 =	sor.u32 s20, s2  }
0x154: {  	v4 =	vld [tilespmem:s2+$0x0];
	_ =	sdelay $0x4  }
0x155: {  	v4 =	vadd.s32 s19, v4  }
0x156: {  	v5 =	vshll.u32 v4, $0x3  }
0x157: {  	v4 =	vand.u32 $0x7F, v4;
	v5 =	vand.u32 $0xFFFFFC00, v5  }
0x158: {  	v4 =	vor.u32 v4, v5  }
0x159: {  	v4 =	vadd.s32 v1, v4;
	_ =	sdelay $0x4  }
0x15a: {  	[tilespmem:v4+s12+$0x0] =	vst.idx.msk $0xffff, v2  }
0x15b: {  	v4 =	vld [tilespmem:s2+$0x10];
	_ =	sdelay $0x4  }
0x15c: {  	v4 =	vadd.s32 s19, v4  }
0x15d: {  	v5 =	vshll.u32 v4, $0x3  }
0x15e: {  	v4 =	vand.u32 $0x7F, v4;
	v5 =	vand.u32 $0xFFFFFC00, v5  }
0x15f: {  	v4 =	vor.u32 v4, v5  }
0x160: {  	p0 =	sne.s32 s19, $0x640;
	v4 =	vadd.s32 v3, v4  }
.Ltmp1:
0x161: {  	_ = 	snop;
	(pc) =	sbr.rel @p0 .LBB2_4-.Ltmp1, $2  }
0x162: {  	_ =	sdelay $0x2  }
0x163: {  	s18 =	sadd.s32 $0x80, s18;
	s17 =	sadd.s32 $0x200, s17;
	s19 =	sadd.s32 $0x40, s19;
	[tilespmem:v4+s12+$0x0] =	vst.idx.msk $0xffff, v2  }
0x164: {  	s2 =	simm.s32 $0x0  }
0x165: {  	s17 =	simm.s32 $0x0;
	s2 =	smul.u32 $0xD000, s2  }
0x166: {  	[hbm4b:s5+s17] =	stream.linear.scatter [tilespmem:s12], [sflag:$0x1], $0xD000, $0x38;
	[tilespmem:$0x1E000] =	vst v63  }
0x167: {  	s18 =	sand.u32 $0x380, s17;
	s2 =	sshra.s32 s2, $0x2  }
0x168: {  	s18 =	sor.u32 s18, s2  }
0x169: {  	s2 =	sadd.s32 $0x11000, s18;
	[tilespmem:s18+$0x11000] =	vst v0  }
0x16a: {  	[tilespmem:s2+$0x70] =	vst v0  }
0x16b: {  	[tilespmem:s2+$0x60] =	vst v0  }
0x16c: {  	[tilespmem:s2+$0x30] =	vst v0  }
0x16d: {  	[tilespmem:s2+$0x50] =	vst v0  }
0x16e: {  	[tilespmem:s2+$0x20] =	vst v0  }
0x16f: {  	[tilespmem:s2+$0x40] =	vst v0  }
0x170: {  	[tilespmem:s2+$0x10] =	vst v0  }
0x171: {  	s21 =	sadd.s32 $0x11400, s18;
	[tilespmem:s18+$0x11400] =	vst v0  }
0x172: {  	[tilespmem:s21+$0x70] =	vst v0  }
0x173: {  	[tilespmem:s21+$0x60] =	vst v0  }
0x174: {  	[tilespmem:s21+$0x50] =	vst v0  }
0x175: {  	[tilespmem:s21+$0x40] =	vst v0  }
0x176: {  	[tilespmem:s21+$0x30] =	vst v0  }
0x177: {  	[tilespmem:s21+$0x20] =	vst v0  }
0x178: {  	[tilespmem:s21+$0x10] =	vst v0  }
0x179: {  	s22 =	sadd.s32 $0x11800, s18;
	[tilespmem:s18+$0x11800] =	vst v0  }
0x17a: {  	[tilespmem:s22+$0x70] =	vst v0  }
0x17b: {  	[tilespmem:s22+$0x60] =	vst v0  }
0x17c: {  	[tilespmem:s22+$0x50] =	vst v0  }
0x17d: {  	[tilespmem:s22+$0x40] =	vst v0  }
0x17e: {  	[tilespmem:s22+$0x30] =	vst v0  }
0x17f: {  	[tilespmem:s22+$0x10] =	vst v0  }
0x180: {  	[tilespmem:s22+$0x20] =	vst v0  }
0x181: {  	s23 =	sadd.s32 $0x11C00, s18;
	[tilespmem:s18+$0x11C00] =	vst v0  }
0x182: {  	[tilespmem:s23+$0x70] =	vst v0  }
0x183: {  	[tilespmem:s23+$0x60] =	vst v0  }
0x184: {  	[tilespmem:s23+$0x50] =	vst v0  }
0x185: {  	[tilespmem:s23+$0x40] =	vst v0  }
0x186: {  	[tilespmem:s23+$0x30] =	vst v0  }
0x187: {  	[tilespmem:s23+$0x20] =	vst v0  }
0x188: {  	s19 =	sadd.s32 $0x12000, s18;
	[tilespmem:s23+$0x10] =	vst v0  }
0x189: {  	[tilespmem:s19+$0x70] =	vst v0  }
0x18a: {  	[tilespmem:s19+$0x60] =	vst v0  }
0x18b: {  	[tilespmem:s19+$0x40] =	vst v0  }
0x18c: {  	[tilespmem:s19+$0x50] =	vst v0  }
0x18d: {  	[tilespmem:s18+$0x12000] =	vst v0  }
0x18e: {  	[tilespmem:s19+$0x10] =	vst v0  }
0x18f: {  	[tilespmem:s19+$0x20] =	vst v0  }
0x190: {  	s24 =	sadd.s32 $0x12400, s18;
	[tilespmem:s19+$0x30] =	vst v0  }
0x191: {  	[tilespmem:s24+$0x70] =	vst v0  }
0x192: {  	[tilespmem:s24+$0x60] =	vst v0  }
0x193: {  	[tilespmem:s24+$0x50] =	vst v0  }
0x194: {  	[tilespmem:s24+$0x40] =	vst v0  }
0x195: {  	[tilespmem:s18+$0x12400] =	vst v0  }
0x196: {  	[tilespmem:s24+$0x20] =	vst v0  }
0x197: {  	[tilespmem:s24+$0x10] =	vst v0  }
0x198: {  	s25 =	sadd.s32 $0x12800, s18;
	[tilespmem:s24+$0x30] =	vst v0  }
0x199: {  	[tilespmem:s25+$0x70] =	vst v0  }
0x19a: {  	[tilespmem:s25+$0x60] =	vst v0  }
0x19b: {  	[tilespmem:s18+$0x12800] =	vst v0  }
0x19c: {  	[tilespmem:s25+$0x50] =	vst v0  }
0x19d: {  	[tilespmem:s25+$0x40] =	vst v0  }
0x19e: {  	[tilespmem:s25+$0x30] =	vst v0  }
0x19f: {  	[tilespmem:s25+$0x20] =	vst v0  }
0x1a0: {  	s26 =	sadd.s32 $0x12C00, s18;
	[tilespmem:s25+$0x10] =	vst v0  }
0x1a1: {  	[tilespmem:s26+$0x60] =	vst v0  }
0x1a2: {  	[tilespmem:s26+$0x50] =	vst v0  }
0x1a3: {  	[tilespmem:s26+$0x70] =	vst v0  }
0x1a4: {  	[tilespmem:s26+$0x40] =	vst v0  }
0x1a5: {  	[tilespmem:s18+$0x12C00] =	vst v0  }
0x1a6: {  	[tilespmem:s26+$0x20] =	vst v0  }
0x1a7: {  	[tilespmem:s26+$0x10] =	vst v0  }
0x1a8: {  	s28 =	sadd.s32 $0x13000, s18;
	[tilespmem:s26+$0x30] =	vst v0  }
0x1a9: {  	[tilespmem:s28+$0x60] =	vst v0  }
0x1aa: {  	[tilespmem:s28+$0x70] =	vst v0  }
0x1ab: {  	[tilespmem:s28+$0x50] =	vst v0  }
0x1ac: {  	[tilespmem:s18+$0x13000] =	vst v0  }
0x1ad: {  	[tilespmem:s28+$0x40] =	vst v0  }
0x1ae: {  	[tilespmem:s28+$0x10] =	vst v0  }
0x1af: {  	[tilespmem:s28+$0x20] =	vst v0  }
0x1b0: {  	s29 =	sadd.s32 $0x13400, s18;
	[tilespmem:s28+$0x30] =	vst v0  }
0x1b1: {  	[tilespmem:s29+$0x70] =	vst v0  }
0x1b2: {  	[tilespmem:s29+$0x60] =	vst v0  }
0x1b3: {  	[tilespmem:s29+$0x50] =	vst v0  }
0x1b4: {  	[tilespmem:s29+$0x40] =	vst v0  }
0x1b5: {  	[tilespmem:s18+$0x13400] =	vst v0  }
0x1b6: {  	[tilespmem:s29+$0x10] =	vst v0  }
0x1b7: {  	[tilespmem:s29+$0x20] =	vst v0  }
0x1b8: {  	s30 =	sadd.s32 $0x13800, s18;
	[tilespmem:s29+$0x30] =	vst v0  }
0x1b9: {  	[tilespmem:s30+$0x70] =	vst v0  }
0x1ba: {  	[tilespmem:s30+$0x60] =	vst v0  }
0x1bb: {  	[tilespmem:s18+$0x13800] =	vst v0  }
0x1bc: {  	[tilespmem:s30+$0x50] =	vst v0  }
0x1bd: {  	[tilespmem:s30+$0x40] =	vst v0  }
0x1be: {  	[tilespmem:s30+$0x30] =	vst v0  }
0x1bf: {  	[tilespmem:s30+$0x10] =	vst v0  }
0x1c0: {  	s31 =	sadd.s32 $0x13C00, s18;
	[tilespmem:s30+$0x20] =	vst v0  }
0x1c1: {  	[tilespmem:s31+$0x50] =	vst v0  }
0x1c2: {  	[tilespmem:s31+$0x70] =	vst v0  }
0x1c3: {  	[tilespmem:s31+$0x60] =	vst v0  }
0x1c4: {  	[tilespmem:s31+$0x40] =	vst v0  }
0x1c5: {  	[tilespmem:s18+$0x13C00] =	vst v0  }
0x1c6: {  	[tilespmem:s31+$0x10] =	vst v0  }
0x1c7: {  	[tilespmem:s31+$0x20] =	vst v0  }
0x1c8: {  	s21 =	sadd.s32 $0x14000, s18;
	[tilespmem:s31+$0x30] =	vst v0  }
0x1c9: {  	[tilespmem:s21+$0x70] =	vst v0  }
0x1ca: {  	[tilespmem:s21+$0x40] =	vst v0  }
0x1cb: {  	s22 =	simm.s32 $0x1;
	s19 =	simm.s32 $0x0;
	[tilespmem:s21+$0x60] =	vst v0  }
.LBB2_6:
0x1cc: {  	s2 =	sshrl.u32 s22, $0x3  }
0x1cd: {  	[tilespmem:s18+$0x14000] =	vst v0;
	s19 =	sadd.s32 $0x80, s19;
	s18 =	smov.u32 s22;
	s20 =	sadd.s32 $0x1, s22  }
0x1ce: {  	p0 =	sne.s32 s22, $0x1F;
	s2 =	smul.u32 $0xD000, s2;
	[tilespmem:s21+$0x20] =	vst v0  }
0x1cf: {  	[tilespmem:s21+$0x30] =	vst v0  }
0x1d0: {  	s18 =	sand.u32 $0x380, s19;
	s2 =	sshra.s32 s2, $0x2;
	[tilespmem:s21+$0x10] =	vst v0  }
0x1d1: {  	s18 =	sor.u32 s18, s2;
	[tilespmem:s21+$0x50] =	vst v0  }
0x1d2: {  	s2 =	sadd.s32 $0x11000, s18;
	[tilespmem:s18+$0x11000] =	vst v0  }
0x1d3: {  	[tilespmem:s2+$0x70] =	vst v0  }
0x1d4: {  	[tilespmem:s2+$0x60] =	vst v0  }
0x1d5: {  	[tilespmem:s2+$0x30] =	vst v0  }
0x1d6: {  	[tilespmem:s2+$0x50] =	vst v0  }
0x1d7: {  	[tilespmem:s2+$0x20] =	vst v0  }
0x1d8: {  	[tilespmem:s2+$0x40] =	vst v0  }
0x1d9: {  	[tilespmem:s2+$0x10] =	vst v0  }
0x1da: {  	s2 =	sadd.s32 $0x11400, s18;
	[tilespmem:s18+$0x11400] =	vst v0  }
0x1db: {  	[tilespmem:s2+$0x70] =	vst v0  }
0x1dc: {  	[tilespmem:s2+$0x60] =	vst v0  }
0x1dd: {  	[tilespmem:s2+$0x30] =	vst v0  }
0x1de: {  	[tilespmem:s2+$0x20] =	vst v0  }
0x1df: {  	[tilespmem:s2+$0x50] =	vst v0  }
0x1e0: {  	[tilespmem:s2+$0x10] =	vst v0  }
0x1e1: {  	[tilespmem:s2+$0x40] =	vst v0  }
0x1e2: {  	s2 =	sadd.s32 $0x11800, s18;
	[tilespmem:s18+$0x11800] =	vst v0  }
0x1e3: {  	[tilespmem:s2+$0x70] =	vst v0  }
0x1e4: {  	[tilespmem:s2+$0x60] =	vst v0  }
0x1e5: {  	[tilespmem:s2+$0x30] =	vst v0  }
0x1e6: {  	[tilespmem:s2+$0x50] =	vst v0  }
0x1e7: {  	s21 =	sadd.s32 $0x12000, s18;
	[tilespmem:s2+$0x10] =	vst v0  }
0x1e8: {  	[tilespmem:s2+$0x20] =	vst v0  }
0x1e9: {  	[tilespmem:s2+$0x40] =	vst v0  }
0x1ea: {  	s2 =	sadd.s32 $0x11C00, s18;
	[tilespmem:s18+$0x11C00] =	vst v0  }
0x1eb: {  	[tilespmem:s2+$0x70] =	vst v0  }
0x1ec: {  	[tilespmem:s2+$0x60] =	vst v0  }
0x1ed: {  	[tilespmem:s2+$0x30] =	vst v0  }
0x1ee: {  	[tilespmem:s2+$0x20] =	vst v0  }
0x1ef: {  	[tilespmem:s2+$0x50] =	vst v0  }
0x1f0: {  	[tilespmem:s2+$0x10] =	vst v0  }
0x1f1: {  	[tilespmem:s2+$0x40] =	vst v0  }
0x1f2: {  	[tilespmem:s21+$0x70] =	vst v0  }
0x1f3: {  	[tilespmem:s21+$0x60] =	vst v0  }
0x1f4: {  	[tilespmem:s21+$0x40] =	vst v0  }
0x1f5: {  	[tilespmem:s21+$0x50] =	vst v0  }
0x1f6: {  	[tilespmem:s18+$0x12000] =	vst v0  }
0x1f7: {  	[tilespmem:s21+$0x10] =	vst v0  }
0x1f8: {  	[tilespmem:s21+$0x20] =	vst v0  }
0x1f9: {  	s2 =	sadd.s32 $0x12400, s18;
	[tilespmem:s21+$0x30] =	vst v0  }
0x1fa: {  	[tilespmem:s2+$0x70] =	vst v0  }
0x1fb: {  	[tilespmem:s2+$0x60] =	vst v0  }
0x1fc: {  	[tilespmem:s2+$0x50] =	vst v0  }
0x1fd: {  	[tilespmem:s2+$0x40] =	vst v0  }
0x1fe: {  	[tilespmem:s18+$0x12400] =	vst v0  }
0x1ff: {  	[tilespmem:s2+$0x20] =	vst v0  }
0x200: {  	[tilespmem:s2+$0x10] =	vst v0  }
0x201: {  	[tilespmem:s2+$0x30] =	vst v0;
	s2 =	sadd.s32 $0x12800, s18  }
0x202: {  	[tilespmem:s2+$0x70] =	vst v0  }
0x203: {  	[tilespmem:s2+$0x60] =	vst v0  }
0x204: {  	[tilespmem:s18+$0x12800] =	vst v0  }
0x205: {  	[tilespmem:s2+$0x30] =	vst v0  }
0x206: {  	[tilespmem:s2+$0x20] =	vst v0  }
0x207: {  	[tilespmem:s2+$0x10] =	vst v0  }
0x208: {  	[tilespmem:s2+$0x50] =	vst v0  }
0x209: {  	[tilespmem:s2+$0x40] =	vst v0;
	s2 =	sadd.s32 $0x12C00, s18  }
0x20a: {  	[tilespmem:s2+$0x60] =	vst v0  }
0x20b: {  	[tilespmem:s2+$0x50] =	vst v0  }
0x20c: {  	[tilespmem:s2+$0x70] =	vst v0  }
0x20d: {  	[tilespmem:s2+$0x40] =	vst v0  }
0x20e: {  	[tilespmem:s18+$0x12C00] =	vst v0  }
0x20f: {  	[tilespmem:s2+$0x20] =	vst v0  }
0x210: {  	[tilespmem:s2+$0x10] =	vst v0  }
0x211: {  	[tilespmem:s2+$0x30] =	vst v0;
	s2 =	sadd.s32 $0x13000, s18  }
0x212: {  	[tilespmem:s2+$0x60] =	vst v0  }
0x213: {  	[tilespmem:s2+$0x70] =	vst v0  }
0x214: {  	[tilespmem:s2+$0x50] =	vst v0  }
0x215: {  	[tilespmem:s18+$0x13000] =	vst v0  }
0x216: {  	[tilespmem:s2+$0x10] =	vst v0  }
0x217: {  	[tilespmem:s2+$0x40] =	vst v0  }
0x218: {  	[tilespmem:s2+$0x20] =	vst v0  }
0x219: {  	[tilespmem:s2+$0x30] =	vst v0;
	s2 =	sadd.s32 $0x13400, s18  }
0x21a: {  	[tilespmem:s2+$0x70] =	vst v0  }
0x21b: {  	[tilespmem:s2+$0x60] =	vst v0  }
0x21c: {  	[tilespmem:s2+$0x50] =	vst v0  }
0x21d: {  	[tilespmem:s2+$0x40] =	vst v0  }
0x21e: {  	[tilespmem:s18+$0x13400] =	vst v0  }
0x21f: {  	[tilespmem:s2+$0x10] =	vst v0  }
0x220: {  	[tilespmem:s2+$0x20] =	vst v0  }
0x221: {  	[tilespmem:s2+$0x30] =	vst v0;
	s2 =	sadd.s32 $0x13800, s18  }
0x222: {  	[tilespmem:s2+$0x70] =	vst v0  }
0x223: {  	[tilespmem:s2+$0x60] =	vst v0  }
0x224: {  	[tilespmem:s18+$0x13800] =	vst v0  }
0x225: {  	[tilespmem:s2+$0x50] =	vst v0  }
0x226: {  	[tilespmem:s2+$0x30] =	vst v0  }
0x227: {  	[tilespmem:s2+$0x10] =	vst v0  }
0x228: {  	[tilespmem:s2+$0x20] =	vst v0  }
0x229: {  	[tilespmem:s2+$0x40] =	vst v0;
	s2 =	sadd.s32 $0x13C00, s18  }
0x22a: {  	[tilespmem:s2+$0x50] =	vst v0  }
0x22b: {  	[tilespmem:s2+$0x70] =	vst v0  }
0x22c: {  	[tilespmem:s2+$0x60] =	vst v0  }
0x22d: {  	[tilespmem:s2+$0x40] =	vst v0  }
0x22e: {  	[tilespmem:s18+$0x13C00] =	vst v0  }
0x22f: {  	[tilespmem:s2+$0x10] =	vst v0  }
.Ltmp2:
0x230: {  	[tilespmem:s2+$0x20] =	vst v0;
	(pc) =	sbr.rel @p0 .LBB2_6-.Ltmp2, $4  }
0x231: {  	s21 =	sadd.s32 $0x14000, s18;
	[tilespmem:s2+$0x30] =	vst v0  }
0x232: {  	[tilespmem:s21+$0x70] =	vst v0  }
0x233: {  	[tilespmem:s21+$0x40] =	vst v0  }
0x234: {  	s22 =	smov.u32 s20;
	[tilespmem:s21+$0x60] =	vst v0  }
0x235: {  	[tilespmem:s18+$0x14000] =	vst v0  }
0x236: {  	[tilespmem:s21+$0x50] =	vst v0  }
0x237: {  	[tilespmem:s21+$0x20] =	vst v0  }
0x238: {  	[tilespmem:s21+$0x30] =	vst v0  }
0x239: {  	s18 =	simm.s32 $0x0;
	s19 =	simm.s32 $0x0;
	[tilespmem:s21+$0x10] =	vst v0  }
.LBB2_8:
0x23a: {  	s2 =	sand.u32 $0x3000, s17;
	s20 =	sand.u32 $0x380, s18  }
0x23b: {  	s2 =	sor.u32 s20, s2  }
0x23c: {  	v4 =	vld [tilespmem:s2+$0x20];
	_ =	sdelay $0x4  }
0x23d: {  	v4 =	vadd.s32 s19, v4  }
0x23e: {  	v5 =	vshll.u32 v4, $0x3  }
0x23f: {  	v4 =	vand.u32 $0x7F, v4;
	v5 =	vand.u32 $0xFFFFFC00, v5  }
0x240: {  	v4 =	vor.u32 v4, v5  }
0x241: {  	v4 =	vadd.s32 v1, v4;
	_ =	sdelay $0x4  }
0x242: {  	[tilespmem:v4+s13+$0x0] =	vst.idx.msk $0xffff, v2  }
0x243: {  	v4 =	vld [tilespmem:s2+$0x30];
	_ =	sdelay $0x4  }
0x244: {  	v4 =	vadd.s32 s19, v4  }
0x245: {  	v5 =	vshll.u32 v4, $0x3  }
0x246: {  	v4 =	vand.u32 $0x7F, v4;
	v5 =	vand.u32 $0xFFFFFC00, v5  }
0x247: {  	v4 =	vor.u32 v4, v5  }
0x248: {  	p0 =	sne.s32 s19, $0x640;
	v4 =	vadd.s32 v3, v4  }
.Ltmp3:
0x249: {  	_ = 	snop;
	(pc) =	sbr.rel @p0 .LBB2_8-.Ltmp3, $2  }
0x24a: {  	_ =	sdelay $0x2  }
0x24b: {  	s18 =	sadd.s32 $0x80, s18;
	s17 =	sadd.s32 $0x200, s17;
	s19 =	sadd.s32 $0x40, s19;
	[tilespmem:v4+s13+$0x0] =	vst.idx.msk $0xffff, v2  }
0x24c: {  	[hbm4b:s7+s4] =	stream.linear.scatter [tilespmem:s13], [sflag:$0x2], $0xD000, $0x38;
	[tilespmem:$0x1E000] =	vst v63  }
0x24d: {  	s17 =	simm.s32 $0x1  }
.LBB2_10:
0x24e: {  	s18 =	sshll.u32 s17, $0x6  }
0x24f: {  	_ =	swait.ge [sflag:s14], $0xD000;
	s2 =	sadd.s32 $0xFFFFFFC0, s18  }
0x250: {  	s23 =	simm.s32 $0x0;
	[sflag:s14] =	ssyncset.done $0x0;
	s20 =	sshll.u32 s2, $0x3  }
0x251: {  	s21 =	sadd.s32 $0xFFFFFFD0, s18;
	s26 =	sand.u32 $0x3000, s23;
	s20 =	sand.u32 $0xFFFFFC00, s20  }
0x252: {  	s19 =	sand.u32 $0x40, s2;
	s25 =	sshll.u32 s21, $0x3;
	s24 =	sadd.s32 s20, s26  }
0x253: {  	s22 =	sand.u32 $0xFFFFFC00, s25;
	s25 =	sand.u32 $0x380, s23;
	s24 =	sadd.s32 s19, s24  }
0x254: {  	[sflag:s14] =	ssyncadd.s32 $0xFFFF3000;
	s24 =	sadd.s32 s25, s24  }
0x255: {  	v4 =	vld [tilespmem:s24+$0x0];
	_ =	sdelay $0x4  }
0x256: {  	v4 =	vadd.s32 s23, v4  }
0x257: {  	v5 =	vshll.u32 v4, $0x3  }
0x258: {  	v4 =	vand.u32 $0x7F, v4;
	v5 =	vand.u32 $0xFFFFFC00, v5  }
0x259: {  	v4 =	vor.u32 v4, v5  }
0x25a: {  	v4 =	vadd.s32 v1, v4;
	_ =	sdelay $0x2  }
0x25b: {  	s21 =	sand.u32 $0x50, s21;
	s2 =	sadd.s32 s22, s26  }
0x25c: {  	s2 =	sadd.s32 s21, s2  }
0x25d: {  	s2 =	sadd.s32 s25, s2;
	[tilespmem:v4+s12+$0x0] =	vst.idx.msk $0xffff, v0  }
0x25e: {  	v4 =	vld [tilespmem:s2+$0x0];
	_ =	sdelay $0x4  }
0x25f: {  	v4 =	vadd.s32 s23, v4  }
0x260: {  	v5 =	vshll.u32 v4, $0x3  }
0x261: {  	v4 =	vand.u32 $0x7F, v4;
	v5 =	vand.u32 $0xFFFFFC00, v5  }
0x262: {  	v4 =	vor.u32 v4, v5  }
0x263: {  	s26 =	simm.s32 $0x80;
	s24 =	simm.s32 $0x200;
	v4 =	vadd.s32 v3, v4  }
0x264: {  	s28 =	sand.u32 $0x380, s26;
	s31 =	sand.u32 $0x3000, s24  }
0x265: {  	s25 =	simm.s32 $0x80;
	s29 =	sadd.s32 s20, s31;
	s2 =	sadd.s32 s22, s31  }
0x266: {  	s30 =	sadd.s32 s19, s29;
	s29 =	sadd.s32 s21, s2;
	s23 =	simm.s32 $0x40  }
.LBB2_11:
0x267: {  	p0 =	seq.s32 s25, $0x640  }
0x268: {  	s2 =	sadd.s32 s28, s30;
	[tilespmem:v4+s12+$0x0] =	vst.idx.msk $0xffff, v0;
	s30 =	smov.u32 s25;
	s25 =	sadd.s32 $0x40, s25  }
0x269: {  	v4 =	vld [tilespmem:s2+$0x0];
	_ =	sdelay $0x4  }
0x26a: {  	v4 =	vadd.s32 s23, v4  }
0x26b: {  	v5 =	vshll.u32 v4, $0x3  }
0x26c: {  	v4 =	vand.u32 $0x7F, v4;
	v5 =	vand.u32 $0xFFFFFC00, v5  }
0x26d: {  	v4 =	vor.u32 v4, v5  }
0x26e: {  	v4 =	vadd.s32 v1, v4;
	_ =	sdelay $0x4  }
0x26f: {  	s2 =	sadd.s32 s28, s29;
	[tilespmem:v4+s12+$0x0] =	vst.idx.msk $0xffff, v0  }
0x270: {  	v4 =	vld [tilespmem:s2+$0x0];
	_ =	sdelay $0x4  }
0x271: {  	v4 =	vadd.s32 s23, v4;
	s23 =	smov.u32 s30  }
0x272: {  	v5 =	vshll.u32 v4, $0x3  }
0x273: {  	v4 =	vand.u32 $0x7F, v4;
	v5 =	vand.u32 $0xFFFFFC00, v5  }
0x274: {  	v4 =	vor.u32 v4, v5  }
.Ltmp4:
0x275: {  	v4 =	vadd.s32 v3, v4;
	(pc) =	sbr.rel @!p0 .LBB2_11-.Ltmp4, $4  }
0x276: {  	s24 =	sadd.s32 $0x200, s24  }
0x277: {  	s2 =	sand.u32 $0x3000, s24  }
0x278: {  	s26 =	sadd.s32 $0x80, s26;
	s29 =	sadd.s32 s20, s2;
	s2 =	sadd.s32 s22, s2  }
0x279: {  	s28 =	sand.u32 $0x380, s26;
	s30 =	sadd.s32 s19, s29;
	s29 =	sadd.s32 s21, s2  }
0x27a: {  	_ =	sdelay $0x3  }
0x27b: {  	s2 =	sadd.s32 s28, s30;
	[tilespmem:v4+s12+$0x0] =	vst.idx.msk $0xffff, v0  }
0x27c: {  	v4 =	vld [tilespmem:s2+$0x0];
	_ =	sdelay $0x4  }
0x27d: {  	v4 =	vadd.s32 s23, v4  }
0x27e: {  	v5 =	vshll.u32 v4, $0x3  }
0x27f: {  	v4 =	vand.u32 $0x7F, v4;
	v5 =	vand.u32 $0xFFFFFC00, v5  }
0x280: {  	v4 =	vor.u32 v4, v5  }
0x281: {  	v4 =	vadd.s32 v1, v4;
	_ =	sdelay $0x4  }
0x282: {  	s26 =	sadd.s32 s28, s29;
	[tilespmem:v4+s12+$0x0] =	vst.idx.msk $0xffff, v0  }
0x283: {  	v4 =	vld [tilespmem:s26+$0x0];
	_ =	sdelay $0x4  }
0x284: {  	v4 =	vadd.s32 s23, v4  }
0x285: {  	v5 =	vshll.u32 v4, $0x3  }
0x286: {  	v4 =	vand.u32 $0x7F, v4;
	v5 =	vand.u32 $0xFFFFFC00, v5  }
0x287: {  	v4 =	vor.u32 v4, v5  }
0x288: {  	v4 =	vadd.s32 v3, v4  }
0x289: {  	s28 =	sshll.u32 s17, $0x9  }
0x28a: {  	s19 =	sand.u32 $0x40, s18;
	s22 =	simm.s32 $0x0;
	s20 =	sand.u32 $0xC00, s28  }
0x28b: {  	s29 =	sand.u32 $0x3000, s22;
	s21 =	sor.u32 s19, s20  }
0x28c: {  	s30 =	sand.u32 $0x380, s22;
	s2 =	sor.u32 s29, s21  }
0x28d: {  	s2 =	sadd.s32 s30, s2;
	[tilespmem:v4+s12+$0x0] =	vst.idx.msk $0xffff, v0  }
0x28e: {  	v4 =	vld [tilespmem:s2+$0x0];
	_ =	sdelay $0x4  }
0x28f: {  	v4 =	vadd.s32 s22, v4  }
0x290: {  	v5 =	vshll.u32 v4, $0x3  }
0x291: {  	v4 =	vand.u32 $0x7F, v4;
	v5 =	vand.u32 $0xFFFFFC00, v5  }
0x292: {  	v4 =	vor.u32 v4, v5  }
0x293: {  	v4 =	vadd.s32 v1, v4;
	_ =	sdelay $0x4  }
0x294: {  	[tilespmem:v4+s12+$0x0] =	vst.idx.msk $0xffff, v2  }
0x295: {  	v4 =	vld [tilespmem:s2+$0x10];
	_ =	sdelay $0x4  }
0x296: {  	v4 =	vadd.s32 s22, v4  }
0x297: {  	v5 =	vshll.u32 v4, $0x3  }
0x298: {  	v4 =	vand.u32 $0x7F, v4;
	v5 =	vand.u32 $0xFFFFFC00, v5  }
0x299: {  	v4 =	vor.u32 v4, v5  }
0x29a: {  	v4 =	vadd.s32 v3, v4  }
0x29b: {  	s23 =	simm.s32 $0x200  }
0x29c: {  	s24 =	simm.s32 $0x80;
	s25 =	simm.s32 $0x80;
	s31 =	sand.u32 $0x3000, s23  }
0x29d: {  	s26 =	sand.u32 $0x380, s24;
	s2 =	sor.u32 s31, s21;
	s22 =	simm.s32 $0x40  }
.LBB2_13:
0x29e: {  	p0 =	sne.s32 s25, $0x640  }
0x29f: {  	s2 =	sadd.s32 s26, s2;
	[tilespmem:v4+s12+$0x0] =	vst.idx.msk $0xffff, v2;
	s26 =	smov.u32 s25;
	s25 =	sadd.s32 $0x40, s25  }
0x2a0: {  	v4 =	vld [tilespmem:s2+$0x0];
	_ =	sdelay $0x4  }
0x2a1: {  	v4 =	vadd.s32 s22, v4  }
0x2a2: {  	v5 =	vshll.u32 v4, $0x3  }
0x2a3: {  	v4 =	vand.u32 $0x7F, v4;
	v5 =	vand.u32 $0xFFFFFC00, v5  }
0x2a4: {  	v4 =	vor.u32 v4, v5  }
0x2a5: {  	v4 =	vadd.s32 v1, v4;
	_ =	sdelay $0x4  }
0x2a6: {  	[tilespmem:v4+s12+$0x0] =	vst.idx.msk $0xffff, v2  }
0x2a7: {  	v4 =	vld [tilespmem:s2+$0x10];
	_ =	sdelay $0x4  }
0x2a8: {  	v4 =	vadd.s32 s22, v4;
	s22 =	smov.u32 s26  }
0x2a9: {  	v5 =	vshll.u32 v4, $0x3  }
0x2aa: {  	v4 =	vand.u32 $0x7F, v4;
	v5 =	vand.u32 $0xFFFFFC00, v5  }
0x2ab: {  	v4 =	vor.u32 v4, v5  }
.Ltmp5:
0x2ac: {  	v4 =	vadd.s32 v3, v4;
	(pc) =	sbr.rel @p0 .LBB2_13-.Ltmp5, $4  }
0x2ad: {  	_ = 	snop  }
0x2ae: {  	s23 =	sadd.s32 $0x200, s23  }
0x2af: {  	s24 =	sadd.s32 $0x80, s24;
	s2 =	sand.u32 $0x3000, s23  }
0x2b0: {  	s2 =	sor.u32 s2, s21;
	s26 =	sand.u32 $0x380, s24  }
0x2b1: {  	_ =	sdelay $0x3  }
0x2b2: {  	s2 =	sadd.s32 s26, s2;
	[tilespmem:v4+s12+$0x0] =	vst.idx.msk $0xffff, v2  }
0x2b3: {  	v4 =	vld [tilespmem:s2+$0x0];
	_ =	sdelay $0x4  }
0x2b4: {  	v4 =	vadd.s32 s22, v4  }
0x2b5: {  	v5 =	vshll.u32 v4, $0x3  }
0x2b6: {  	v4 =	vand.u32 $0x7F, v4;
	v5 =	vand.u32 $0xFFFFFC00, v5  }
0x2b7: {  	v4 =	vor.u32 v4, v5  }
0x2b8: {  	v4 =	vadd.s32 v1, v4;
	_ =	sdelay $0x4  }
0x2b9: {  	[tilespmem:v4+s12+$0x0] =	vst.idx.msk $0xffff, v2  }
0x2ba: {  	v4 =	vld [tilespmem:s2+$0x10];
	_ =	sdelay $0x4  }
0x2bb: {  	v4 =	vadd.s32 s22, v4  }
0x2bc: {  	v5 =	vshll.u32 v4, $0x3  }
0x2bd: {  	v4 =	vand.u32 $0x7F, v4;
	v5 =	vand.u32 $0xFFFFFC00, v5  }
0x2be: {  	v4 =	vor.u32 v4, v5  }
0x2bf: {  	v4 =	vadd.s32 v3, v4  }
0x2c0: {  	s25 =	sor.u32 s1, s18  }
0x2c1: {  	s2 =	sshrl.u32 s25, $0x3  }
0x2c2: {  	s2 =	smul.u32 $0x680, s2;
	_ =	sdelay $0x1  }
0x2c3: {  	s26 =	sadd.s32 $0xFFFFFFE0, s18;
	s25 =	simm.s32 $0x0;
	s2 =	sadd.s32 s3, s2;
	[tilespmem:v4+s12+$0x0] =	vst.idx.msk $0xffff, v2  }
0x2c4: {  	[hbm4b:s2+s25] =	stream.linear.scatter [tilespmem:s12], [sflag:$0x1], $0xD000, $0x38;
	[tilespmem:$0x1E000] =	vst v63  }
0x2c5: {  	s2 =	sshll.u32 s26, $0x3  }
0x2c6: {  	s22 =	sand.u32 $0xFFFFFC00, s2;
	s2 =	sand.u32 $0x3000, s25  }
0x2c7: {  	s21 =	sand.u32 $0x60, s26;
	_ =	swait.ge [sflag:s15], $0xD000;
	s0 =	sadd.s32 s22, s2  }
0x2c8: {  	s28 =	sand.u32 $0x380, s25;
	[sflag:s15] =	ssyncset.done $0x0;
	s26 =	sadd.s32 s21, s0  }
0x2c9: {  	[sflag:s15] =	ssyncadd.s32 $0xFFFF3000;
	s26 =	sadd.s32 s28, s26  }
0x2ca: {  	v4 =	vld [tilespmem:s26+$0x0];
	_ =	sdelay $0x4  }
0x2cb: {  	v4 =	vadd.s32 s25, v4  }
0x2cc: {  	v5 =	vshll.u32 v4, $0x3  }
0x2cd: {  	v4 =	vand.u32 $0x7F, v4;
	v5 =	vand.u32 $0xFFFFFC00, v5  }
0x2ce: {  	v4 =	vor.u32 v4, v5  }
0x2cf: {  	s23 =	sadd.s32 $0xFFFFFFF0, s18;
	v4 =	vadd.s32 v1, v4  }
0x2d0: {  	s24 =	sshll.u32 s23, $0x3  }
0x2d1: {  	s24 =	sand.u32 $0xFFFFFC00, s24  }
0x2d2: {  	s23 =	sand.u32 $0x70, s23;
	s2 =	sadd.s32 s24, s2  }
0x2d3: {  	s2 =	sadd.s32 s23, s2  }
0x2d4: {  	s2 =	sadd.s32 s28, s2;
	[tilespmem:v4+s13+$0x0] =	vst.idx.msk $0xffff, v0  }
0x2d5: {  	v4 =	vld [tilespmem:s2+$0x0];
	_ =	sdelay $0x4  }
0x2d6: {  	v4 =	vadd.s32 s25, v4  }
0x2d7: {  	v5 =	vshll.u32 v4, $0x3  }
0x2d8: {  	v4 =	vand.u32 $0x7F, v4;
	v5 =	vand.u32 $0xFFFFFC00, v5  }
0x2d9: {  	v4 =	vor.u32 v4, v5  }
0x2da: {  	s29 =	simm.s32 $0x80;
	s26 =	simm.s32 $0x200;
	v4 =	vadd.s32 v3, v4  }
0x2db: {  	s30 =	sand.u32 $0x380, s29;
	s0 =	sand.u32 $0x3000, s26  }
0x2dc: {  	s28 =	simm.s32 $0x80;
	s31 =	sadd.s32 s22, s0;
	s0 =	sadd.s32 s24, s0  }
0x2dd: {  	s2 =	sadd.s32 s21, s31;
	s31 =	sadd.s32 s23, s0;
	s25 =	simm.s32 $0x40  }
.LBB2_15:
0x2de: {  	p0 =	seq.s32 s28, $0x640  }
0x2df: {  	s0 =	sadd.s32 s30, s2;
	[tilespmem:v4+s13+$0x0] =	vst.idx.msk $0xffff, v0;
	s2 =	smov.u32 s28;
	s28 =	sadd.s32 $0x40, s28  }
0x2e0: {  	v4 =	vld [tilespmem:s0+$0x0];
	_ =	sdelay $0x4  }
0x2e1: {  	v4 =	vadd.s32 s25, v4  }
0x2e2: {  	v5 =	vshll.u32 v4, $0x3  }
0x2e3: {  	v4 =	vand.u32 $0x7F, v4;
	v5 =	vand.u32 $0xFFFFFC00, v5  }
0x2e4: {  	v4 =	vor.u32 v4, v5  }
0x2e5: {  	v4 =	vadd.s32 v1, v4;
	_ =	sdelay $0x4  }
0x2e6: {  	s0 =	sadd.s32 s30, s31;
	[tilespmem:v4+s13+$0x0] =	vst.idx.msk $0xffff, v0  }
0x2e7: {  	v4 =	vld [tilespmem:s0+$0x0];
	_ =	sdelay $0x4  }
0x2e8: {  	v4 =	vadd.s32 s25, v4;
	s25 =	smov.u32 s2  }
0x2e9: {  	v5 =	vshll.u32 v4, $0x3  }
0x2ea: {  	v4 =	vand.u32 $0x7F, v4;
	v5 =	vand.u32 $0xFFFFFC00, v5  }
0x2eb: {  	v4 =	vor.u32 v4, v5  }
.Ltmp6:
0x2ec: {  	v4 =	vadd.s32 v3, v4;
	(pc) =	sbr.rel @!p0 .LBB2_15-.Ltmp6, $4  }
0x2ed: {  	s26 =	sadd.s32 $0x200, s26  }
0x2ee: {  	s0 =	sand.u32 $0x3000, s26  }
0x2ef: {  	s29 =	sadd.s32 $0x80, s29;
	s2 =	sadd.s32 s22, s0;
	s0 =	sadd.s32 s24, s0  }
0x2f0: {  	s30 =	sand.u32 $0x380, s29;
	s2 =	sadd.s32 s21, s2;
	s31 =	sadd.s32 s23, s0  }
0x2f1: {  	_ =	sdelay $0x3  }
0x2f2: {  	s0 =	sadd.s32 s30, s2;
	[tilespmem:v4+s13+$0x0] =	vst.idx.msk $0xffff, v0  }
0x2f3: {  	v4 =	vld [tilespmem:s0+$0x0];
	_ =	sdelay $0x4  }
0x2f4: {  	v4 =	vadd.s32 s25, v4  }
0x2f5: {  	v5 =	vshll.u32 v4, $0x3  }
0x2f6: {  	v4 =	vand.u32 $0x7F, v4;
	v5 =	vand.u32 $0xFFFFFC00, v5  }
0x2f7: {  	v4 =	vor.u32 v4, v5  }
0x2f8: {  	v4 =	vadd.s32 v1, v4;
	_ =	sdelay $0x4  }
0x2f9: {  	s26 =	sadd.s32 s30, s31;
	[tilespmem:v4+s13+$0x0] =	vst.idx.msk $0xffff, v0  }
0x2fa: {  	v4 =	vld [tilespmem:s26+$0x0];
	_ =	sdelay $0x4  }
0x2fb: {  	v4 =	vadd.s32 s25, v4  }
0x2fc: {  	v5 =	vshll.u32 v4, $0x3  }
0x2fd: {  	v4 =	vand.u32 $0x7F, v4;
	v5 =	vand.u32 $0xFFFFFC00, v5  }
0x2fe: {  	v4 =	vor.u32 v4, v5  }
0x2ff: {  	v4 =	vadd.s32 v3, v4  }
0x300: {  	s22 =	simm.s32 $0x0  }
0x301: {  	s18 =	sor.u32 $0x20, s18;
	s29 =	sand.u32 $0x3000, s22  }
0x302: {  	s21 =	sand.u32 $0x60, s18;
	s0 =	sor.u32 s29, s20  }
0x303: {  	s30 =	sand.u32 $0x380, s22;
	s23 =	sadd.s32 s21, s0  }
0x304: {  	s23 =	sadd.s32 s30, s23;
	[tilespmem:v4+s13+$0x0] =	vst.idx.msk $0xffff, v0  }
0x305: {  	v4 =	vld [tilespmem:s23+$0x0];
	_ =	sdelay $0x4  }
0x306: {  	v4 =	vadd.s32 s22, v4  }
0x307: {  	v5 =	vshll.u32 v4, $0x3  }
0x308: {  	v4 =	vand.u32 $0x7F, v4;
	v5 =	vand.u32 $0xFFFFFC00, v5  }
0x309: {  	v4 =	vor.u32 v4, v5  }
0x30a: {  	v4 =	vadd.s32 v1, v4;
	_ =	sdelay $0x3  }
0x30b: {  	s0 =	sadd.s32 s19, s0  }
0x30c: {  	s0 =	sadd.s32 s30, s0;
	[tilespmem:v4+s13+$0x0] =	vst.idx.msk $0xffff, v2  }
0x30d: {  	v4 =	vld [tilespmem:s0+$0x30];
	_ =	sdelay $0x4  }
0x30e: {  	v4 =	vadd.s32 s22, v4  }
0x30f: {  	v5 =	vshll.u32 v4, $0x3  }
0x310: {  	v4 =	vand.u32 $0x7F, v4;
	v5 =	vand.u32 $0xFFFFFC00, v5  }
0x311: {  	v4 =	vor.u32 v4, v5  }
0x312: {  	s23 =	simm.s32 $0x200;
	v4 =	vadd.s32 v3, v4  }
0x313: {  	s25 =	simm.s32 $0x80;
	s31 =	sand.u32 $0x3000, s23  }
0x314: {  	s24 =	simm.s32 $0x80;
	s26 =	sand.u32 $0x380, s25;
	s0 =	sor.u32 s31, s20  }
0x315: {  	s2 =	sadd.s32 s21, s0;
	s28 =	sadd.s32 s19, s0;
	s22 =	simm.s32 $0x40  }
.LBB2_17:
0x316: {  	p0 =	sne.s32 s24, $0x640  }
0x317: {  	s0 =	sadd.s32 s26, s2;
	[tilespmem:v4+s13+$0x0] =	vst.idx.msk $0xffff, v2;
	s2 =	smov.u32 s24;
	s24 =	sadd.s32 $0x40, s24  }
0x318: {  	v4 =	vld [tilespmem:s0+$0x0];
	_ =	sdelay $0x4  }
0x319: {  	v4 =	vadd.s32 s22, v4  }
0x31a: {  	v5 =	vshll.u32 v4, $0x3  }
0x31b: {  	v4 =	vand.u32 $0x7F, v4;
	v5 =	vand.u32 $0xFFFFFC00, v5  }
0x31c: {  	v4 =	vor.u32 v4, v5  }
0x31d: {  	v4 =	vadd.s32 v1, v4;
	_ =	sdelay $0x4  }
0x31e: {  	s0 =	sadd.s32 s26, s28;
	[tilespmem:v4+s13+$0x0] =	vst.idx.msk $0xffff, v2  }
0x31f: {  	v4 =	vld [tilespmem:s0+$0x30];
	_ =	sdelay $0x4  }
0x320: {  	v4 =	vadd.s32 s22, v4;
	s22 =	smov.u32 s2  }
0x321: {  	v5 =	vshll.u32 v4, $0x3  }
0x322: {  	v4 =	vand.u32 $0x7F, v4;
	v5 =	vand.u32 $0xFFFFFC00, v5  }
0x323: {  	v4 =	vor.u32 v4, v5  }
.Ltmp7:
0x324: {  	v4 =	vadd.s32 v3, v4;
	(pc) =	sbr.rel @p0 .LBB2_17-.Ltmp7, $4  }
0x325: {  	s23 =	sadd.s32 $0x200, s23  }
0x326: {  	s0 =	sand.u32 $0x3000, s23  }
0x327: {  	s25 =	sadd.s32 $0x80, s25;
	s0 =	sor.u32 s0, s20  }
0x328: {  	s26 =	sand.u32 $0x380, s25;
	s28 =	sadd.s32 s19, s0;
	s2 =	sadd.s32 s21, s0  }
0x329: {  	_ =	sdelay $0x3  }
0x32a: {  	s0 =	sadd.s32 s26, s2;
	[tilespmem:v4+s13+$0x0] =	vst.idx.msk $0xffff, v2  }
0x32b: {  	v4 =	vld [tilespmem:s0+$0x0];
	_ =	sdelay $0x4  }
0x32c: {  	v4 =	vadd.s32 s22, v4  }
0x32d: {  	v5 =	vshll.u32 v4, $0x3  }
0x32e: {  	v4 =	vand.u32 $0x7F, v4;
	v5 =	vand.u32 $0xFFFFFC00, v5  }
0x32f: {  	v4 =	vor.u32 v4, v5  }
0x330: {  	v4 =	vadd.s32 v1, v4;
	_ =	sdelay $0x4  }
0x331: {  	s30 =	sadd.s32 s26, s28;
	[tilespmem:v4+s13+$0x0] =	vst.idx.msk $0xffff, v2  }
0x332: {  	v4 =	vld [tilespmem:s30+$0x30];
	_ =	sdelay $0x4  }
0x333: {  	v4 =	vadd.s32 s22, v4  }
0x334: {  	v5 =	vshll.u32 v4, $0x3  }
0x335: {  	v4 =	vand.u32 $0x7F, v4;
	v5 =	vand.u32 $0xFFFFFC00, v5  }
0x336: {  	v4 =	vor.u32 v4, v5  }
0x337: {  	s17 =	sadd.s32 $0x1, s17;
	v4 =	vadd.s32 v3, v4  }
0x338: {  	s31 =	sor.u32 s1, s18;
	p0 =	sne.s32 s17, $0x8  }
.Ltmp8:
0x339: {  	s0 =	sshrl.u32 s31, $0x3;
	(pc) =	sbr.rel @p0 .LBB2_10-.Ltmp8, $3  }
0x33a: {  	s0 =	smul.u32 $0x680, s0;
	_ =	sdelay $0x1  }
0x33b: {  	s0 =	sadd.s32 s3, s0;
	[tilespmem:v4+s13+$0x0] =	vst.idx.msk $0xffff, v2  }
0x33c: {  	[hbm4b:s0+s4] =	stream.linear.scatter [tilespmem:s13], [sflag:$0x2], $0xD000, $0x38;
	[tilespmem:$0x1E000] =	vst v63  }
0x33d: {  	s16 =	sadd.s32 $0x1, s16  }
0x33e: {  	_ =	swait.ge [sflag:s14], $0xD000;
	p0 =	sne.s32 s16, s8  }
.Ltmp9:
0x33f: {  	[sflag:s14] =	ssyncset.done $0x0;
	(pc) =	sbr.rel @p0 .LBB2_1-.Ltmp9, $4  }
0x340: {  	[sflag:s14] =	ssyncadd.s32 $0xFFFF3000  }
0x341: {  	_ =	swait.ge [sflag:s15], $0xD000  }
0x342: {  	[sflag:s15] =	ssyncset.done $0x0  }
0x343: {  	[sflag:s15] =	ssyncadd.s32 $0xFFFF3000  }
0x344: {  	_ =	sfence.sel $0x180000  }
0x345: {  	[bflag:$0x0] =	sbarrier.arrive $0xFFFF  }
0x346: {  	_ =	strace $0x90000047  }
0x347: {  	s0 =	stileid.u32;
	[bflag:$0x2] =	sbarrier.arrive $0xFFFF  }
0x348: {  	p0 =	sne.s32 s0, $0x0;
	s0 =	rddreg [dreg:$0x2]  }
0x349: {  	s0 =	sadd.s32 @!p0 $0x100000, s0  }
0x34a: {  	[sflag:s0] =	ssyncadd.tile.s32 @!p0 $0x1;
	_ =	shalt  }
.Lfunc_end2:
_tile_overlayer_lowered:
.L_overlay_start_2:
0x34b: {  	(tag) =	ssettag $0x2  }
0x34c: {  	s0 =	rddreg [dreg:$0x0];
	s2 =	stileid.u32  }
0x34d: {  	s1 =	rddreg [dreg:$0x1];
	p0 =	sne.s32 s2, $0x0  }
0x34e: {  	s3 =	rddreg [dreg:$0x2];
	[bflag:$0x3] =	sbarrier.arrive $0xFFFF;
	s2 =	simm.s32 @!p0 $0x1C04  }
0x34f: {  	[timem:s3], [sflag:s2] =	dma.local @!p0 [hbm:s0], s1  }
0x350: {  	s0 =	simm.s32 @!p0 $0x4  }
0x351: {  	_ =	swait.ge @!p0 [sflag:s0], s1  }
0x352: {  	s1 =	ssub.s32 @!p0 $0x0, s1;
	[sflag:s0] =	ssyncset.done @!p0 $0x0  }
0x353: {  	[sflag:s0] =	ssyncadd.s32 @!p0 s1  }
0x354: {  	[bflag:$0x3] =	sbarrier.arrive $0xFFFF  }
0x355: {  	_ =	shalt  }

</sc_bundles>
